<compile_context>
chip_gen: v7x
topology: tpu7x:2x2x1
jax: 0.10.2.dev20260603
libtpu: 0.0.44.dev20260713+nightly
codegen_flags: <defaults>
</compile_context>

<pallas_src>
import functools

import jax
import jax.numpy as jnp
from jax import lax
from jax.experimental import pallas as pl
from jax.experimental.pallas import tpu as pltpu
from jax.experimental.pallas import tpu_sc as plsc

B = 1024
H = 200
NQ = 4
NH = 4
NU = 4
V = 100000
E = 64
QD = 128
HD = 128
UD = 128
ATT_H = 64

_NC = 2
_NS = 16
NW = _NC * _NS

ROWS_H = B * H * NH
RPW_H = ROWS_H // NW
CH = 128
NCH_H = RPW_H // CH
ROWS_Q = B * NQ
RPW_Q = ROWS_Q // NW
BPW = B // NW
MAXC = (H * NH + CH - 1) // CH

@functools.lru_cache(maxsize=1)
def _build_sc_gather():
    mesh = plsc.VectorSubcoreMesh(core_axis_name="c", subcore_axis_name="s")
    return functools.partial(
        pl.kernel,
        mesh=mesh,
        out_type=[
            jax.ShapeDtypeStruct((ROWS_H, E), jnp.float32),
            jax.ShapeDtypeStruct((ROWS_Q, E), jnp.float32),
            jax.ShapeDtypeStruct((ROWS_Q, E), jnp.float32),
        ],
        scratch_types=[
            pltpu.VMEM((RPW_H + CH,), jnp.int32),
            pltpu.VMEM((CH, E), jnp.float32),
            pltpu.VMEM((CH, E), jnp.float32),
            pltpu.VMEM((BPW * MAXC + 16,), jnp.int32),
            pltpu.VMEM((16,), jnp.int32),
            pltpu.SemaphoreType.DMA,
            pltpu.SemaphoreType.DMA,
        ],
        compiler_params=pltpu.CompilerParams(use_tc_tiling_on_sc=False),
    )(_sc_gather_body)


def _sc_gather_body(tab_h, idx_h, tab_q, idx_q, tab_u, idx_u, offs, cnts,
                    out_h, out_q, out_u, idxv, buf0, buf1, offv, cntv,
                    sem0, sem1):
    wid = lax.axis_index("s") * _NC + lax.axis_index("c")
    base = wid * RPW_H

    pltpu.sync_copy(offs.at[wid], offv)
    pltpu.sync_copy(cnts.at[wid], cntv)
    n = cntv[...][0]

    @pl.when(wid < NW - 1)
    def _stage_all():
        pltpu.sync_copy(idx_h.at[pl.ds(base, RPW_H + CH)], idxv)

    @pl.when(wid == NW - 1)
    def _stage_last():
        pltpu.sync_copy(idx_h.at[pl.ds(base, RPW_H)],
                        idxv.at[pl.ds(0, RPW_H)])

    def _loff(k):
        return pl.multiple_of(offv[pl.ds(k, 16)][0], 8)

    def _start(j):
        idxr = idxv.at[pl.ds(_loff(j), CH)]

        @pl.when(j % 2 == 0)
        def _():
            pltpu.async_copy(tab_h.at[idxr], buf0, sem0)

        @pl.when(j % 2 == 1)
        def _():
            pltpu.async_copy(tab_h.at[idxr], buf1, sem1)

    def _finish(k):
        loff = _loff(k)
        goff = pl.multiple_of(base + loff, 8)

        @pl.when(k % 2 == 0)
        def _():
            pltpu.make_async_copy(tab_h.at[idxv.at[pl.ds(loff, CH)]],
                                  buf0, sem0).wait()
            pltpu.sync_copy(buf0, out_h.at[pl.ds(goff, CH)])

        @pl.when(k % 2 == 1)
        def _():
            pltpu.make_async_copy(tab_h.at[idxv.at[pl.ds(loff, CH)]],
                                  buf1, sem1).wait()
            pltpu.sync_copy(buf1, out_h.at[pl.ds(goff, CH)])

    @pl.when(n > 0)
    def _prime():
        _start(0)

    def chunk(k, carry):
        @pl.when(k + 1 < n)
        def _():
            _start(k + 1)

        _finish(k)
        return carry

    lax.fori_loop(0, n, chunk, 0)

    qoff = wid * RPW_Q
    idxq_v = idxv.at[pl.ds(0, RPW_Q)]
    pltpu.sync_copy(idx_q.at[pl.ds(qoff, RPW_Q)], idxq_v)
    pltpu.async_copy(tab_q.at[idxq_v], buf0, sem0).wait()
    pltpu.sync_copy(buf0, out_q.at[pl.ds(qoff, RPW_Q)])

    pltpu.sync_copy(idx_u.at[pl.ds(qoff, RPW_Q)], idxq_v)
    pltpu.async_copy(tab_u.at[idxq_v], buf0, sem0).wait()
    pltpu.sync_copy(buf0, out_u.at[pl.ds(qoff, RPW_Q)])


BB = 64
NB = B // BB
HB = 40
NJ = H // HB


def _tc_body(qe_ref, ue_ref, he_ref, len_ref,
             Wq_ref, bq_ref, Wh_ref, bh_ref, Wu_ref, bu_ref,
             Wa1_ref, ba1_ref, Wa2_ref,
             Wm0_ref, bm0_ref, Wm1_ref, bm1_ref, Wm2_ref, bm2_ref,
             Wm3_ref, bm3_ref,
             out_ref,
             qs, us, qterm, m_s, d_s, pooled):
    j = pl.program_id(1)

    @pl.when(j == 0)
    def _init():
        qe4 = qe_ref[...]
        q = jnp.maximum(
            jnp.dot(qe4[:, 0, :], Wq_ref[...][0:2 * E],
                    preferred_element_type=jnp.float32)
            + jnp.dot(qe4[:, 1, :], Wq_ref[...][2 * E:4 * E],
                      preferred_element_type=jnp.float32)
            + bq_ref[...], 0.0)
        qs[...] = q
        ue4 = ue_ref[...]
        us[...] = jnp.maximum(
            jnp.dot(ue4[:, 0, :], Wu_ref[...][0:2 * E],
                    preferred_element_type=jnp.float32)
            + jnp.dot(ue4[:, 1, :], Wu_ref[...][2 * E:4 * E],
                      preferred_element_type=jnp.float32)
            + bu_ref[...], 0.0)
        Wa1 = Wa1_ref[...]
        qterm[...] = jnp.dot(q, Wa1[0:HD] + Wa1[2 * HD:3 * HD],
                             preferred_element_type=jnp.float32) + ba1_ref[...]
        m_s[...] = jnp.full((BB, 1), -1e30, jnp.float32)
        d_s[...] = jnp.zeros((BB, 1), jnp.float32)
        pooled[...] = jnp.zeros((BB, HD), jnp.float32)

    he4 = he_ref[...].astype(jnp.bfloat16).reshape(BB, HB, 2, 2 * E)
    Whb = Wh_ref[...].astype(jnp.bfloat16)
    h2 = jnp.maximum(
        jnp.dot(he4[:, :, 0, :].reshape(BB * HB, 2 * E), Whb[0:2 * E],
                preferred_element_type=jnp.float32)
        + jnp.dot(he4[:, :, 1, :].reshape(BB * HB, 2 * E), Whb[2 * E:4 * E],
                  preferred_element_type=jnp.float32)
        + bh_ref[...], 0.0)

    tpos = (lax.broadcasted_iota(jnp.int32, (BB, HB), 1)
            + j * HB).astype(jnp.float32)
    mask = tpos < len_ref[...]
    maskf = mask.astype(jnp.float32)
    maskf3 = maskf[:, :, None] * jnp.ones((1, 1, HD), jnp.float32)
    h3 = jnp.where(maskf3 > 0.5, h2.reshape(BB, HB, HD), 0.0)

    Wa1 = Wa1_ref[...]
    hterm = jnp.dot(h3.reshape(BB * HB, HD).astype(jnp.bfloat16),
                    (Wa1[HD:2 * HD] - Wa1[2 * HD:3 * HD]).astype(jnp.bfloat16),
                    preferred_element_type=jnp.float32)
    qh = (qs[...][:, None, :] * h3).reshape(BB * HB, HD)
    pterm = jnp.dot(qh.astype(jnp.bfloat16),
                    Wa1[3 * HD:4 * HD].astype(jnp.bfloat16),
                    preferred_element_type=jnp.float32)
    a = jnp.maximum(
        qterm[...][:, None, :] + (hterm + pterm).reshape(BB, HB, ATT_H), 0.0)
    s = jnp.sum(a * Wa2_ref[...][None, :, :], axis=2)
    s = jnp.where(mask, s, -1e9)

    m_old = m_s[...]
    m_new = jnp.maximum(m_old, jnp.max(s, axis=1, keepdims=True))
    alpha = jnp.exp(m_old - m_new)
    p = jnp.exp(s - m_new)
    m_s[...] = m_new
    d_s[...] = d_s[...] * alpha + jnp.sum(p, axis=1, keepdims=True)
    pooled[...] = pooled[...] * alpha + jnp.sum(p[:, :, None] * h3, axis=1)

    @pl.when(j == NJ - 1)
    def _final():
        pool = pooled[...] / d_s[...]
        x = jnp.concatenate([qs[...], pool, us[...]], axis=1)
        x = jnp.maximum(jnp.dot(x, Wm0_ref[...],
                                preferred_element_type=jnp.float32)
                        + bm0_ref[...], 0.0)
        x = jnp.maximum(jnp.dot(x, Wm1_ref[...],
                                preferred_element_type=jnp.float32)
                        + bm1_ref[...], 0.0)
        x = jnp.maximum(jnp.dot(x, Wm2_ref[...],
                                preferred_element_type=jnp.float32)
                        + bm2_ref[...], 0.0)
        z = jnp.dot(x, Wm3_ref[...], preferred_element_type=jnp.float32)
        out_ref[...] = jax.nn.sigmoid(z + bm3_ref[...])


def _full(shape):
    return pl.BlockSpec(shape, lambda i, j: (0,) * len(shape))


def _build_tc_call(interpret=False):
    return pl.pallas_call(
        _tc_body,
        grid=(NB, NJ),
        in_specs=[
            pl.BlockSpec((BB, NQ // 2, 2 * E), lambda i, j: (i, 0, 0)),
            pl.BlockSpec((BB, NU // 2, 2 * E), lambda i, j: (i, 0, 0)),
            pl.BlockSpec((BB, 1, HB * NH // 2, 2 * E),
                         lambda i, j: (i, j, 0, 0)),
            pl.BlockSpec((BB, 1), lambda i, j: (i, 0)),
            _full((NQ * E, QD)), _full((1, QD)),
            _full((NH * E, HD)), _full((1, HD)),
            _full((NU * E, UD)), _full((1, UD)),
            _full((4 * HD, ATT_H)), _full((1, ATT_H)),
            _full((1, ATT_H)),
            _full((QD + HD + UD, 512)), _full((1, 512)),
            _full((512, 256)), _full((1, 256)),
            _full((256, 128)), _full((1, 128)),
            _full((128, 1)), _full((1, 1)),
        ],
        out_specs=pl.BlockSpec((BB, 1), lambda i, j: (i, 0)),
        out_shape=jax.ShapeDtypeStruct((B, 1), jnp.float32),
        scratch_shapes=[
            pltpu.VMEM((BB, QD), jnp.float32),
            pltpu.VMEM((BB, UD), jnp.float32),
            pltpu.VMEM((BB, ATT_H), jnp.float32),
            pltpu.VMEM((BB, 1), jnp.float32),
            pltpu.VMEM((BB, 1), jnp.float32),
            pltpu.VMEM((BB, HD), jnp.float32),
        ],
        compiler_params=pltpu.CompilerParams(
            dimension_semantics=("arbitrary", "arbitrary")),
        interpret=interpret,
    )


_tc_call = _build_tc_call()


def kernel(query_features, hist_features, hist_length, user_features,
           emb_q, emb_h, emb_u, Wq, bq, Wh, bh, Wu, bu,
           Wa1, ba1, Wa2, ba2, Wm0, bm0, Wm1, bm1, Wm2, bm2, Wm3, bm3):
    foffs = (jnp.arange(NQ, dtype=jnp.int32) * V)[None, :]
    idx_q = (query_features.astype(jnp.int32) + foffs).reshape(ROWS_Q)
    idx_h = (hist_features.astype(jnp.int32) + foffs[None]).reshape(ROWS_H)
    idx_u = (user_features.astype(jnp.int32) + foffs).reshape(ROWS_Q)

    lens_i = hist_length.astype(jnp.int32)
    nchunk = (NH * lens_i + (CH - 1)) // CH
    cand = (jnp.arange(B, dtype=jnp.int32)[:, None] * (H * NH)
            + jnp.arange(MAXC, dtype=jnp.int32)[None, :] * CH)
    cand = jnp.minimum(cand, ROWS_H - CH)
    live = jnp.arange(MAXC, dtype=jnp.int32)[None, :] < nchunk[:, None]
    candw = cand.reshape(NW, BPW * MAXC)
    livew = live.reshape(NW, BPW * MAXC)
    order = jnp.argsort(jnp.logical_not(livew), axis=1, stable=True)
    offsw = jnp.take_along_axis(candw, order, axis=1)
    offsw = offsw - jnp.arange(NW, dtype=jnp.int32)[:, None] * RPW_H
    offsw = jnp.pad(offsw, ((0, 0), (0, 16)))
    cntw = jnp.tile(livew.sum(axis=1, dtype=jnp.int32)[:, None], (1, 16))

    h_rows, q_rows, u_rows = _build_sc_gather()(
        emb_h.reshape(NH * V, E), idx_h,
        emb_q.reshape(NQ * V, E), idx_q,
        emb_u.reshape(NU * V, E), idx_u,
        offsw, cntw)

    h_e = h_rows.reshape(B, NJ, HB * NH // 2, 2 * E)
    q_e = q_rows.reshape(B, NQ // 2, 2 * E)
    u_e = u_rows.reshape(B, NU // 2, 2 * E)
    lens = hist_length.reshape(B, 1).astype(jnp.float32)

    del ba2
    return _tc_call(
        q_e, u_e, h_e, lens,
        Wq, bq.reshape(1, QD), Wh, bh.reshape(1, HD), Wu, bu.reshape(1, UD),
        Wa1, ba1.reshape(1, ATT_H), Wa2.reshape(1, ATT_H),
        Wm0, bm0.reshape(1, 512), Wm1, bm1.reshape(1, 256),
        Wm2, bm2.reshape(1, 128), Wm3, bm3.reshape(1, 1))

# --- scband reference (transcript-rebuilt; emitter-appended) ---
"""Pipeline reference for scband-model-73280732004492 (READ-ONLY COPY).

The authoritative reference and input builder live on the scoring server;
editing this copy changes nothing except your own understanding.
"""

import jax, jax.numpy as jnp
import numpy as np

B = 1024; H = 200; NQ = 4; NH = 4; NU = 4; V = 100000; E = 64
QD = 128; HD = 128; UD = 128; ATT_H = 64
HID = [512, 256, 128]


def setup_inputs(seed: int = 0):
    key = jax.random.key(seed)
    ks = jax.random.split(key, 32)
    inp = {}
    inp["query_features"] = jax.random.randint(ks[0], (B, NQ), 0, V)
    inp["hist_features"] = jax.random.randint(ks[1], (B, H, NH), 0, V)
    inp["hist_length"] = jax.random.randint(ks[2], (B,), 0, H)
    inp["user_features"] = jax.random.randint(ks[3], (B, NU), 0, V)
    s = 0.02
    inp["emb_q"] = jax.random.normal(ks[4], (NQ, V, E), jnp.float32) * s
    inp["emb_h"] = jax.random.normal(ks[5], (NH, V, E), jnp.float32) * s
    inp["emb_u"] = jax.random.normal(ks[6], (NU, V, E), jnp.float32) * s
    inp["Wq"] = jax.random.normal(ks[7], (NQ * E, QD), jnp.float32) / np.sqrt(NQ * E)
    inp["bq"] = jnp.zeros((QD,), jnp.float32)
    inp["Wh"] = jax.random.normal(ks[8], (NH * E, HD), jnp.float32) / np.sqrt(NH * E)
    inp["bh"] = jnp.zeros((HD,), jnp.float32)
    inp["Wu"] = jax.random.normal(ks[9], (NU * E, UD), jnp.float32) / np.sqrt(NU * E)
    inp["bu"] = jnp.zeros((UD,), jnp.float32)
    inp["Wa1"] = jax.random.normal(ks[10], (4 * HD, ATT_H), jnp.float32) / np.sqrt(4 * HD)
    inp["ba1"] = jnp.zeros((ATT_H,), jnp.float32)
    inp["Wa2"] = jax.random.normal(ks[11], (ATT_H, 1), jnp.float32) / np.sqrt(ATT_H)
    inp["ba2"] = jnp.zeros((1,), jnp.float32)
    dims = [QD + HD + UD] + HID + [1]
    for i in range(len(dims) - 1):
        inp["Wm%d" % i] = jax.random.normal(ks[12 + i], (dims[i], dims[i + 1]), jnp.float32) / np.sqrt(dims[i])
        inp["bm%d" % i] = jnp.zeros((dims[i + 1],), jnp.float32)
    return inp


def _forward(query_features, hist_features, hist_length, user_features, emb_q, emb_h, emb_u, Wq, bq, Wh, bh, Wu, bu, Wa1, ba1, Wa2, ba2, Wm0, bm0, Wm1, bm1, Wm2, bm2, Wm3, bm3):
    # EmbeddingMLPLayer for query features: per-feature embedding lookup, concat, MLP
    q_e = jnp.concatenate([emb_q[f][query_features[:, f]] for f in range(NQ)], axis=-1)
    q = jax.nn.relu(q_e @ Wq + bq)
    # EmbeddingMLPLayer for history features (padded/ragged; positions >= length stay exactly zero,
    # matching the torch zeros-init + per-row fill of hist_feat_embed)
    h_e = jnp.concatenate([emb_h[f][hist_features[:, :, f]] for f in range(NH)], axis=-1)
    h = jax.nn.relu(h_e @ Wh + bh)
    mask = jnp.arange(H)[None, :] < hist_length[:, None]
    h = h * mask[:, :, None].astype(h.dtype)
    # EmbeddingMLPLayer for user features
    u_e = jnp.concatenate([emb_u[f][user_features[:, f]] for f in range(NU)], axis=-1)
    u = jax.nn.relu(u_e @ Wu + bu)
    # DIN interaction: local activation unit over history, masked softmax, weighted sum
    qe = jnp.broadcast_to(q[:, None, :], h.shape)
    att_in = jnp.concatenate([qe, h, qe - h, qe * h], axis=-1)
    scores = (jax.nn.relu(att_in @ Wa1 + ba1) @ Wa2 + ba2)[:, :, 0]
    scores = jnp.where(mask, scores, -1e9)
    w = jax.nn.softmax(scores, axis=1)
    pooled = jnp.sum(w[:, :, None] * h, axis=1)
    x = jnp.concatenate([q, pooled, u], axis=-1)
    x = jax.nn.relu(x @ Wm0 + bm0)
    x = jax.nn.relu(x @ Wm1 + bm1)
    x = jax.nn.relu(x @ Wm2 + bm2)
    out = jax.nn.sigmoid(x @ Wm3 + bm3)
    return out


def reference(query_features, hist_features, hist_length, user_features, emb_q, emb_h, emb_u, Wq, bq, Wh, bh, Wu, bu, Wa1, ba1, Wa2, ba2, Wm0, bm0, Wm1, bm1, Wm2, bm2, Wm3, bm3):
    return _forward(query_features, hist_features, hist_length, user_features, emb_q, emb_h, emb_u, Wq, bq, Wh, bh, Wu, bu, Wa1, ba1, Wa2, ba2, Wm0, bm0, Wm1, bm1, Wm2, bm2, Wm3, bm3)

if __name__ == "__main__":
    import jax
    _d = setup_inputs()
    print(jax.jit(kernel)(*tuple(_d.values())))

</pallas_src>

<mosaic_0001>
#map = affine_map<(d0, d1) -> (0, 0)>
#map1 = affine_map<(d0, d1) -> (0)>
module attributes {stable_mosaic.version = 14 : i64} {
  func.func @_sc_gather_body(%arg0: i32, %arg1: i32, %arg2: memref<400000x64xf32, #tpu.memory_space<hbm>>, %arg3: memref<819200xi32, #tpu.memory_space<hbm>>, %arg4: memref<400000x64xf32, #tpu.memory_space<hbm>>, %arg5: memref<4096xi32, #tpu.memory_space<hbm>>, %arg6: memref<400000x64xf32, #tpu.memory_space<hbm>>, %arg7: memref<4096xi32, #tpu.memory_space<hbm>>, %arg8: memref<32x240xi32, #tpu.memory_space<hbm>>, %arg9: memref<32x16xi32, #tpu.memory_space<hbm>>, %arg10: memref<819200x64xf32, #tpu.memory_space<hbm>>, %arg11: memref<4096x64xf32, #tpu.memory_space<hbm>>, %arg12: memref<4096x64xf32, #tpu.memory_space<hbm>>, %arg13: memref<25728xi32, #tpu.memory_space<vmem>>, %arg14: memref<128x64xf32, #tpu.memory_space<vmem>>, %arg15: memref<128x64xf32, #tpu.memory_space<vmem>>, %arg16: memref<240xi32, #tpu.memory_space<vmem>>, %arg17: memref<16xi32, #tpu.memory_space<vmem>>, %arg18: memref<!tpu.dma_semaphore, #tpu.memory_space<semaphore_mem>>, %arg19: memref<!tpu.dma_semaphore, #tpu.memory_space<semaphore_mem>>) attributes {dimension_semantics = [#tpu.dimension_semantics<core_parallel>, #tpu.dimension_semantics<subcore_parallel>], iteration_bounds = array<i64: 2, 16>, scalar_prefetch = 0 : i64, scratch_operands = 7 : i64, tpu.core_type = #tpu.core_type<sc_vector_subcore>, window_params = [{transform_indices = #map}, {transform_indices = #map1}, {transform_indices = #map}, {transform_indices = #map1}, {transform_indices = #map}, {transform_indices = #map1}, {transform_indices = #map}, {transform_indices = #map}, {transform_indices = #map}, {transform_indices = #map}, {transform_indices = #map}]} {
    %mul3A = arith.constant 2 : i32
    %mul3A_0 = arith.muli %arg1, %mul3A : i32
    %add3A = arith.addi %mul3A_0, %arg0 : i32
    %mul3A_1 = arith.constant 25600 : i32
    %mul3A_2 = arith.muli %add3A, %mul3A_1 : i32
    "tpu.region"() ({
      %run_scoped3A = tpu.sem_alloc : memref<!tpu.dma_semaphore, #tpu.memory_space<semaphore_mem>>
      %dma_start3A_44 = arith.constant 0 : i32
      %dma_start3A_45 = tpu.memref_slice %arg8[%add3A, %dma_start3A_44] : memref<32x240xi32, #tpu.memory_space<hbm>> -> memref<1x240xi32, #tpu.memory_space<hbm>>
      %dma_start3A_46 = tpu.memref_squeeze %dma_start3A_45 : memref<1x240xi32, #tpu.memory_space<hbm>> -> memref<240xi32, #tpu.memory_space<hbm>>
      %dma_start3A_47 = arith.constant 0 : i32
      %dma_start3A_48 = tpu.memref_slice %arg8[%add3A, %dma_start3A_47] : memref<32x240xi32, #tpu.memory_space<hbm>> -> memref<1x240xi32, #tpu.memory_space<hbm>>
      %dma_start3A_49 = tpu.memref_squeeze %dma_start3A_48 : memref<1x240xi32, #tpu.memory_space<hbm>> -> memref<240xi32, #tpu.memory_space<hbm>>
      tpu.enqueue_dma source(%dma_start3A_49 : memref<240xi32, #tpu.memory_space<hbm>>) target(%arg16 : memref<240xi32, #tpu.memory_space<vmem>>) target_semaphore(%run_scoped3A : memref<!tpu.dma_semaphore, #tpu.memory_space<semaphore_mem>>)
      %dma_wait3A_50 = arith.constant 0 : i32
      %dma_wait3A_51 = tpu.memref_slice %arg8[%add3A, %dma_wait3A_50] : memref<32x240xi32, #tpu.memory_space<hbm>> -> memref<1x240xi32, #tpu.memory_space<hbm>>
      %dma_wait3A_52 = tpu.memref_squeeze %dma_wait3A_51 : memref<1x240xi32, #tpu.memory_space<hbm>> -> memref<240xi32, #tpu.memory_space<hbm>>
      %dma_wait3A_53 = arith.constant 0 : i32
      %dma_wait3A_54 = tpu.memref_slice %arg8[%add3A, %dma_wait3A_53] : memref<32x240xi32, #tpu.memory_space<hbm>> -> memref<1x240xi32, #tpu.memory_space<hbm>>
      %dma_wait3A_55 = tpu.memref_squeeze %dma_wait3A_54 : memref<1x240xi32, #tpu.memory_space<hbm>> -> memref<240xi32, #tpu.memory_space<hbm>>
      tpu.wait_dma2 semaphore(%run_scoped3A : memref<!tpu.dma_semaphore, #tpu.memory_space<semaphore_mem>>) src(%dma_wait3A_55 : memref<240xi32, #tpu.memory_space<hbm>>) dst(%arg16 : memref<240xi32, #tpu.memory_space<vmem>>)
      tpu.yield
    }) : () -> ()
    "tpu.region"() ({
      %run_scoped3A = tpu.sem_alloc : memref<!tpu.dma_semaphore, #tpu.memory_space<semaphore_mem>>
      %dma_start3A_44 = arith.constant 0 : i32
      %dma_start3A_45 = tpu.memref_slice %arg9[%add3A, %dma_start3A_44] : memref<32x16xi32, #tpu.memory_space<hbm>> -> memref<1x16xi32, #tpu.memory_space<hbm>>
      %dma_start3A_46 = tpu.memref_squeeze %dma_start3A_45 : memref<1x16xi32, #tpu.memory_space<hbm>> -> memref<16xi32, #tpu.memory_space<hbm>>
      %dma_start3A_47 = arith.constant 0 : i32
      %dma_start3A_48 = tpu.memref_slice %arg9[%add3A, %dma_start3A_47] : memref<32x16xi32, #tpu.memory_space<hbm>> -> memref<1x16xi32, #tpu.memory_space<hbm>>
      %dma_start3A_49 = tpu.memref_squeeze %dma_start3A_48 : memref<1x16xi32, #tpu.memory_space<hbm>> -> memref<16xi32, #tpu.memory_space<hbm>>
      tpu.enqueue_dma source(%dma_start3A_49 : memref<16xi32, #tpu.memory_space<hbm>>) target(%arg17 : memref<16xi32, #tpu.memory_space<vmem>>) target_semaphore(%run_scoped3A : memref<!tpu.dma_semaphore, #tpu.memory_space<semaphore_mem>>)
      %dma_wait3A_50 = arith.constant 0 : i32
      %dma_wait3A_51 = tpu.memref_slice %arg9[%add3A, %dma_wait3A_50] : memref<32x16xi32, #tpu.memory_space<hbm>> -> memref<1x16xi32, #tpu.memory_space<hbm>>
      %dma_wait3A_52 = tpu.memref_squeeze %dma_wait3A_51 : memref<1x16xi32, #tpu.memory_space<hbm>> -> memref<16xi32, #tpu.memory_space<hbm>>
      %dma_wait3A_53 = arith.constant 0 : i32
      %dma_wait3A_54 = tpu.memref_slice %arg9[%add3A, %dma_wait3A_53] : memref<32x16xi32, #tpu.memory_space<hbm>> -> memref<1x16xi32, #tpu.memory_space<hbm>>
      %dma_wait3A_55 = tpu.memref_squeeze %dma_wait3A_54 : memref<1x16xi32, #tpu.memory_space<hbm>> -> memref<16xi32, #tpu.memory_space<hbm>>
      tpu.wait_dma2 semaphore(%run_scoped3A : memref<!tpu.dma_semaphore, #tpu.memory_space<semaphore_mem>>) src(%dma_wait3A_55 : memref<16xi32, #tpu.memory_space<hbm>>) dst(%arg17 : memref<16xi32, #tpu.memory_space<vmem>>)
      tpu.yield
    }) : () -> ()
    %get3A = arith.constant 0 : index
    %get3A_3 = tpu.vector_load %arg17[%get3A] {strides = array<i32>} : memref<16xi32, #tpu.memory_space<vmem>>, vector<16xi32>,
    %get3A_4 = vector.shape_cast %get3A_3 : vector<16xi32> to vector<16xi32>
    %slice3A = vector.extract_strided_slice %get3A_4 {offsets = [0], sizes = [1], strides = [1]} : vector<16xi32> to vector<1xi32>
    %squeeze3A = vector.extract %slice3A[0] : i32 from vector<1xi32>
    %lt3A = arith.constant 31 : i32
    %lt3A_5 = arith.cmpi slt, %add3A, %lt3A : i32
    %convert_element_type3A = arith.extui %lt3A_5 : i1 to i32
    %cond3A = arith.constant 0 : i32
    %cond3A_6 = arith.cmpi ne, %convert_element_type3A, %cond3A : i32
    scf.if %cond3A_6 {
      "tpu.region"() ({
        %run_scoped3A = tpu.sem_alloc : memref<!tpu.dma_semaphore, #tpu.memory_space<semaphore_mem>>
        %dma_start3A_44 = tpu.memref_slice %arg3[%mul3A_2] : memref<819200xi32, #tpu.memory_space<hbm>> -> memref<25728xi32, #tpu.memory_space<hbm>>
        %dma_start3A_45 = tpu.memref_slice %arg3[%mul3A_2] : memref<819200xi32, #tpu.memory_space<hbm>> -> memref<25728xi32, #tpu.memory_space<hbm>>
        tpu.enqueue_dma source(%dma_start3A_45 : memref<25728xi32, #tpu.memory_space<hbm>>) target(%arg13 : memref<25728xi32, #tpu.memory_space<vmem>>) target_semaphore(%run_scoped3A : memref<!tpu.dma_semaphore, #tpu.memory_space<semaphore_mem>>)
        %dma_wait3A_46 = tpu.memref_slice %arg3[%mul3A_2] : memref<819200xi32, #tpu.memory_space<hbm>> -> memref<25728xi32, #tpu.memory_space<hbm>>
        %dma_wait3A_47 = tpu.memref_slice %arg3[%mul3A_2] : memref<819200xi32, #tpu.memory_space<hbm>> -> memref<25728xi32, #tpu.memory_space<hbm>>
        tpu.wait_dma2 semaphore(%run_scoped3A : memref<!tpu.dma_semaphore, #tpu.memory_space<semaphore_mem>>) src(%dma_wait3A_47 : memref<25728xi32, #tpu.memory_space<hbm>>) dst(%arg13 : memref<25728xi32, #tpu.memory_space<vmem>>)
        tpu.yield
      }) : () -> ()
    } else {
    }
    %eq3A = arith.constant 31 : i32
    %eq3A_7 = arith.cmpi eq, %add3A, %eq3A : i32
    %convert_element_type3A_8 = arith.extui %eq3A_7 : i1 to i32
    %cond3A_9 = arith.constant 0 : i32
    %cond3A_10 = arith.cmpi ne, %convert_element_type3A_8, %cond3A_9 : i32
    scf.if %cond3A_10 {
      "tpu.region"() ({
        %run_scoped3A = tpu.sem_alloc : memref<!tpu.dma_semaphore, #tpu.memory_space<semaphore_mem>>
        %dma_start3A_44 = arith.constant 0 : i32
        %dma_start3A_45 = tpu.memref_slice %arg13[%dma_start3A_44] : memref<25728xi32, #tpu.memory_space<vmem>> -> memref<25600xi32, #tpu.memory_space<vmem>>
        %dma_start3A_46 = tpu.memref_slice %arg3[%mul3A_2] : memref<819200xi32, #tpu.memory_space<hbm>> -> memref<25600xi32, #tpu.memory_space<hbm>>
        %dma_start3A_47 = arith.constant 0 : i32
        %dma_start3A_48 = tpu.memref_slice %arg13[%dma_start3A_47] : memref<25728xi32, #tpu.memory_space<vmem>> -> memref<25600xi32, #tpu.memory_space<vmem>>
        %dma_start3A_49 = tpu.memref_slice %arg3[%mul3A_2] : memref<819200xi32, #tpu.memory_space<hbm>> -> memref<25600xi32, #tpu.memory_space<hbm>>
        tpu.enqueue_dma source(%dma_start3A_49 : memref<25600xi32, #tpu.memory_space<hbm>>) target(%dma_start3A_48 : memref<25600xi32, #tpu.memory_space<vmem>>) target_semaphore(%run_scoped3A : memref<!tpu.dma_semaphore, #tpu.memory_space<semaphore_mem>>)
        %dma_wait3A_50 = arith.constant 0 : i32
        %dma_wait3A_51 = tpu.memref_slice %arg13[%dma_wait3A_50] : memref<25728xi32, #tpu.memory_space<vmem>> -> memref<25600xi32, #tpu.memory_space<vmem>>
        %dma_wait3A_52 = tpu.memref_slice %arg3[%mul3A_2] : memref<819200xi32, #tpu.memory_space<hbm>> -> memref<25600xi32, #tpu.memory_space<hbm>>
        %dma_wait3A_53 = arith.constant 0 : i32
        %dma_wait3A_54 = tpu.memref_slice %arg13[%dma_wait3A_53] : memref<25728xi32, #tpu.memory_space<vmem>> -> memref<25600xi32, #tpu.memory_space<vmem>>
        %dma_wait3A_55 = tpu.memref_slice %arg3[%mul3A_2] : memref<819200xi32, #tpu.memory_space<hbm>> -> memref<25600xi32, #tpu.memory_space<hbm>>
        tpu.wait_dma2 semaphore(%run_scoped3A : memref<!tpu.dma_semaphore, #tpu.memory_space<semaphore_mem>>) src(%dma_wait3A_55 : memref<25600xi32, #tpu.memory_space<hbm>>) dst(%dma_wait3A_54 : memref<25600xi32, #tpu.memory_space<vmem>>)
        tpu.yield
      }) : () -> ()
    } else {
    }
    %gt3A = arith.constant 0 : i32
    %gt3A_11 = arith.cmpi sgt, %squeeze3A, %gt3A : i32
    %convert_element_type3A_12 = arith.extui %gt3A_11 : i1 to i32
    %cond3A_13 = arith.constant 0 : i32
    %cond3A_14 = arith.cmpi ne, %convert_element_type3A_12, %cond3A_13 : i32
    scf.if %cond3A_14 {
      %get3A_44 = arith.constant 0 : index
      %get3A_45 = tpu.vector_load %arg16[%get3A_44] {strides = array<i32>} : memref<240xi32, #tpu.memory_space<vmem>>, vector<16xi32>,
      %get3A_46 = vector.shape_cast %get3A_45 : vector<16xi32> to vector<16xi32>
      %slice3A_47 = vector.extract_strided_slice %get3A_46 {offsets = [0], sizes = [1], strides = [1]} : vector<16xi32> to vector<1xi32>
      %squeeze3A_48 = vector.extract %slice3A_47[0] : i32 from vector<1xi32>
      %multiple_of3A = tpu.assume_multiple %squeeze3A_48, 8 : i32
      %dma_start3A_49 = tpu.memref_slice %arg13[%multiple_of3A] : memref<25728xi32, #tpu.memory_space<vmem>> -> memref<128xi32, #tpu.memory_space<vmem>>
      %dma_start3A_50 = arith.constant 0 : i32
      %dma_start3A_51 = arith.constant 0 : i32
      %dma_start3A_52 = tpu.memref_slice %arg2[%dma_start3A_50, %dma_start3A_51] : memref<400000x64xf32, #tpu.memory_space<hbm>> -> memref<400000x64xf32, #tpu.memory_space<hbm>>
      tpu.enqueue_indirect_dma source(%dma_start3A_52 : memref<400000x64xf32, #tpu.memory_space<hbm>>) target(%arg14 : memref<128x64xf32, #tpu.memory_space<vmem>>) offsets(%dma_start3A_49 : memref<128xi32, #tpu.memory_space<vmem>>) semaphore(%arg18 : memref<!tpu.dma_semaphore, #tpu.memory_space<semaphore_mem>>)
    } else {
    }
    %while3A = arith.constant 0 : i32
    %while3A_15 = arith.constant 0 : i32
    %while3A_16 = arith.subi %squeeze3A, %while3A_15 : i32
    %while3A_17 = arith.addi %while3A_15, %while3A_16 : i32
    %while3A_18 = arith.constant 1 : i32
    %while3A_19 = arith.divsi %while3A_16, %while3A_18 : i32
    %while3A_20 = arith.muli %while3A_19, %while3A_18 : i32
    %while3A_21 = arith.addi %while3A_15, %while3A_20 : i32
    %while3A_22 = arith.constant 1 : i32
    scf.for %while3A_44 = %while3A_15 to %while3A_21 step %while3A_22  : i32 {
      %add3A_45 = arith.constant 1 : i32
      %add3A_46 = arith.addi %while3A_44, %add3A_45 : i32
      %lt3A_47 = arith.cmpi slt, %add3A_46, %squeeze3A : i32
      %convert_element_type3A_48 = arith.extui %lt3A_47 : i1 to i32
      %cond3A_49 = arith.constant 0 : i32
      %cond3A_50 = arith.cmpi ne, %convert_element_type3A_48, %cond3A_49 : i32
      scf.if %cond3A_50 {
        %add3A_95 = arith.constant 1 : i32
        %add3A_96 = arith.addi %while3A_44, %add3A_95 : i32
        %get3A_97 = arith.index_cast %add3A_96 : i32 to index
        %get3A_98 = tpu.vector_load %arg16[%get3A_97] {strides = array<i32>} : memref<240xi32, #tpu.memory_space<vmem>>, vector<16xi32>,
        %get3A_99 = vector.shape_cast %get3A_98 : vector<16xi32> to vector<16xi32>
        %slice3A_100 = vector.extract_strided_slice %get3A_99 {offsets = [0], sizes = [1], strides = [1]} : vector<16xi32> to vector<1xi32>
        %squeeze3A_101 = vector.extract %slice3A_100[0] : i32 from vector<1xi32>
        %multiple_of3A_102 = tpu.assume_multiple %squeeze3A_101, 8 : i32
        %jit3A_103 = arith.constant 2 : i32
        %eq3A_104 = arith.constant 0 : i32
        %eq3A_105 = arith.cmpi eq, %jit3A_103, %eq3A_104 : i32
        %jit3A_106 = arith.constant 1 : i32
        %select_n3A_107 = arith.select %eq3A_105, %jit3A_106, %jit3A_103 : i32
        %rem3A_108 = arith.remsi %add3A_96, %select_n3A_107 : i32
        %ne3A_109 = arith.constant 0 : i32
        %ne3A_110 = arith.cmpi ne, %rem3A_108, %ne3A_109 : i32
        %lt3A_111 = arith.constant 0 : i32
        %lt3A_112 = arith.cmpi slt, %rem3A_108, %lt3A_111 : i32
        %lt3A_113 = arith.constant 0 : i32
        %lt3A_114 = arith.cmpi slt, %select_n3A_107, %lt3A_113 : i32
        %ne3A_115 = arith.xori %lt3A_112, %lt3A_114 : i1
        %and3A_116 = arith.andi %ne3A_115, %ne3A_110 : i1
        %add3A_117 = arith.addi %rem3A_108, %select_n3A_107 : i32
        %select_n3A_118 = arith.select %and3A_116, %add3A_117, %rem3A_108 : i32
        %eq3A_119 = arith.constant 0 : i32
        %eq3A_120 = arith.cmpi eq, %select_n3A_118, %eq3A_119 : i32
        %convert_element_type3A_121 = arith.extui %eq3A_120 : i1 to i32
        %cond3A_122 = arith.constant 0 : i32
        %cond3A_123 = arith.cmpi ne, %convert_element_type3A_121, %cond3A_122 : i32
        scf.if %cond3A_123 {
          %dma_start3A_145 = tpu.memref_slice %arg13[%multiple_of3A_102] : memref<25728xi32, #tpu.memory_space<vmem>> -> memref<128xi32, #tpu.memory_space<vmem>>
          %dma_start3A_146 = arith.constant 0 : i32
          %dma_start3A_147 = arith.constant 0 : i32
          %dma_start3A_148 = tpu.memref_slice %arg2[%dma_start3A_146, %dma_start3A_147] : memref<400000x64xf32, #tpu.memory_space<hbm>> -> memref<400000x64xf32, #tpu.memory_space<hbm>>
          tpu.enqueue_indirect_dma source(%dma_start3A_148 : memref<400000x64xf32, #tpu.memory_space<hbm>>) target(%arg14 : memref<128x64xf32, #tpu.memory_space<vmem>>) offsets(%dma_start3A_145 : memref<128xi32, #tpu.memory_space<vmem>>) semaphore(%arg18 : memref<!tpu.dma_semaphore, #tpu.memory_space<semaphore_mem>>)
        } else {
        }
        %jit3A_124 = arith.constant 2 : i32
        %eq3A_125 = arith.constant 0 : i32
        %eq3A_126 = arith.cmpi eq, %jit3A_124, %eq3A_125 : i32
        %jit3A_127 = arith.constant 1 : i32
        %select_n3A_128 = arith.select %eq3A_126, %jit3A_127, %jit3A_124 : i32
        %rem3A_129 = arith.remsi %add3A_96, %select_n3A_128 : i32
        %ne3A_130 = arith.constant 0 : i32
        %ne3A_131 = arith.cmpi ne, %rem3A_129, %ne3A_130 : i32
        %lt3A_132 = arith.constant 0 : i32
        %lt3A_133 = arith.cmpi slt, %rem3A_129, %lt3A_132 : i32
        %lt3A_134 = arith.constant 0 : i32
        %lt3A_135 = arith.cmpi slt, %select_n3A_128, %lt3A_134 : i32
        %ne3A_136 = arith.xori %lt3A_133, %lt3A_135 : i1
        %and3A_137 = arith.andi %ne3A_136, %ne3A_131 : i1
        %add3A_138 = arith.addi %rem3A_129, %select_n3A_128 : i32
        %select_n3A_139 = arith.select %and3A_137, %add3A_138, %rem3A_129 : i32
        %eq3A_140 = arith.constant 1 : i32
        %eq3A_141 = arith.cmpi eq, %select_n3A_139, %eq3A_140 : i32
        %convert_element_type3A_142 = arith.extui %eq3A_141 : i1 to i32
        %cond3A_143 = arith.constant 0 : i32
        %cond3A_144 = arith.cmpi ne, %convert_element_type3A_142, %cond3A_143 : i32
        scf.if %cond3A_144 {
          %dma_start3A_145 = tpu.memref_slice %arg13[%multiple_of3A_102] : memref<25728xi32, #tpu.memory_space<vmem>> -> memref<128xi32, #tpu.memory_space<vmem>>
          %dma_start3A_146 = arith.constant 0 : i32
          %dma_start3A_147 = arith.constant 0 : i32
          %dma_start3A_148 = tpu.memref_slice %arg2[%dma_start3A_146, %dma_start3A_147] : memref<400000x64xf32, #tpu.memory_space<hbm>> -> memref<400000x64xf32, #tpu.memory_space<hbm>>
          tpu.enqueue_indirect_dma source(%dma_start3A_148 : memref<400000x64xf32, #tpu.memory_space<hbm>>) target(%arg15 : memref<128x64xf32, #tpu.memory_space<vmem>>) offsets(%dma_start3A_145 : memref<128xi32, #tpu.memory_space<vmem>>) semaphore(%arg19 : memref<!tpu.dma_semaphore, #tpu.memory_space<semaphore_mem>>)
        } else {
        }
      } else {
      }
      %get3A_51 = arith.index_cast %while3A_44 : i32 to index
      %get3A_52 = tpu.vector_load %arg16[%get3A_51] {strides = array<i32>} : memref<240xi32, #tpu.memory_space<vmem>>, vector<16xi32>,
      %get3A_53 = vector.shape_cast %get3A_52 : vector<16xi32> to vector<16xi32>
      %slice3A_54 = vector.extract_strided_slice %get3A_53 {offsets = [0], sizes = [1], strides = [1]} : vector<16xi32> to vector<1xi32>
      %squeeze3A_55 = vector.extract %slice3A_54[0] : i32 from vector<1xi32>
      %multiple_of3A = tpu.assume_multiple %squeeze3A_55, 8 : i32
      %add3A_56 = arith.addi %mul3A_2, %multiple_of3A : i32
      %multiple_of3A_57 = tpu.assume_multiple %add3A_56, 8 : i32
      %jit3A = arith.constant 2 : i32
      %eq3A_58 = arith.constant 0 : i32
      %eq3A_59 = arith.cmpi eq, %jit3A, %eq3A_58 : i32
      %jit3A_60 = arith.constant 1 : i32
      %select_n3A = arith.select %eq3A_59, %jit3A_60, %jit3A : i32
      %rem3A = arith.remsi %while3A_44, %select_n3A : i32
      %ne3A = arith.constant 0 : i32
      %ne3A_61 = arith.cmpi ne, %rem3A, %ne3A : i32
      %lt3A_62 = arith.constant 0 : i32
      %lt3A_63 = arith.cmpi slt, %rem3A, %lt3A_62 : i32
      %lt3A_64 = arith.constant 0 : i32
      %lt3A_65 = arith.cmpi slt, %select_n3A, %lt3A_64 : i32
      %ne3A_66 = arith.xori %lt3A_63, %lt3A_65 : i1
      %and3A = arith.andi %ne3A_66, %ne3A_61 : i1
      %add3A_67 = arith.addi %rem3A, %select_n3A : i32
      %select_n3A_68 = arith.select %and3A, %add3A_67, %rem3A : i32
      %eq3A_69 = arith.constant 0 : i32
      %eq3A_70 = arith.cmpi eq, %select_n3A_68, %eq3A_69 : i32
      %convert_element_type3A_71 = arith.extui %eq3A_70 : i1 to i32
      %cond3A_72 = arith.constant 0 : i32
      %cond3A_73 = arith.cmpi ne, %convert_element_type3A_71, %cond3A_72 : i32
      scf.if %cond3A_73 {
        %dma_wait3A_95 = tpu.memref_slice %arg13[%multiple_of3A] : memref<25728xi32, #tpu.memory_space<vmem>> -> memref<128xi32, #tpu.memory_space<vmem>>
        %dma_wait3A_96 = arith.constant 0 : i32
        %dma_wait3A_97 = arith.constant 0 : i32
        %dma_wait3A_98 = tpu.memref_slice %arg2[%dma_wait3A_96, %dma_wait3A_97] : memref<400000x64xf32, #tpu.memory_space<hbm>> -> memref<400000x64xf32, #tpu.memory_space<hbm>>
        tpu.wait_indirect_dma semaphore(%arg18 : memref<!tpu.dma_semaphore, #tpu.memory_space<semaphore_mem>>) src(%dma_wait3A_98 : memref<400000x64xf32, #tpu.memory_space<hbm>>) dst(%arg14 : memref<128x64xf32, #tpu.memory_space<vmem>>)
        "tpu.region"() ({
          %run_scoped3A = tpu.sem_alloc : memref<!tpu.dma_semaphore, #tpu.memory_space<semaphore_mem>>
          %dma_start3A_99 = arith.constant 0 : i32
          %dma_start3A_100 = tpu.memref_slice %arg10[%multiple_of3A_57, %dma_start3A_99] : memref<819200x64xf32, #tpu.memory_space<hbm>> -> memref<128x64xf32, #tpu.memory_space<hbm>>
          %dma_start3A_101 = arith.constant 0 : i32
          %dma_start3A_102 = tpu.memref_slice %arg10[%multiple_of3A_57, %dma_start3A_101] : memref<819200x64xf32, #tpu.memory_space<hbm>> -> memref<128x64xf32, #tpu.memory_space<hbm>>
          tpu.enqueue_dma source(%arg14 : memref<128x64xf32, #tpu.memory_space<vmem>>) target(%dma_start3A_102 : memref<128x64xf32, #tpu.memory_space<hbm>>) target_semaphore(%run_scoped3A : memref<!tpu.dma_semaphore, #tpu.memory_space<semaphore_mem>>)
          %dma_wait3A_103 = arith.constant 0 : i32
          %dma_wait3A_104 = tpu.memref_slice %arg10[%multiple_of3A_57, %dma_wait3A_103] : memref<819200x64xf32, #tpu.memory_space<hbm>> -> memref<128x64xf32, #tpu.memory_space<hbm>>
          %dma_wait3A_105 = arith.constant 0 : i32
          %dma_wait3A_106 = tpu.memref_slice %arg10[%multiple_of3A_57, %dma_wait3A_105] : memref<819200x64xf32, #tpu.memory_space<hbm>> -> memref<128x64xf32, #tpu.memory_space<hbm>>
          tpu.wait_dma2 semaphore(%run_scoped3A : memref<!tpu.dma_semaphore, #tpu.memory_space<semaphore_mem>>) src(%arg14 : memref<128x64xf32, #tpu.memory_space<vmem>>) dst(%dma_wait3A_106 : memref<128x64xf32, #tpu.memory_space<hbm>>)
          tpu.yield
        }) : () -> ()
      } else {
      }
      %jit3A_74 = arith.constant 2 : i32
      %eq3A_75 = arith.constant 0 : i32
      %eq3A_76 = arith.cmpi eq, %jit3A_74, %eq3A_75 : i32
      %jit3A_77 = arith.constant 1 : i32
      %select_n3A_78 = arith.select %eq3A_76, %jit3A_77, %jit3A_74 : i32
      %rem3A_79 = arith.remsi %while3A_44, %select_n3A_78 : i32
      %ne3A_80 = arith.constant 0 : i32
      %ne3A_81 = arith.cmpi ne, %rem3A_79, %ne3A_80 : i32
      %lt3A_82 = arith.constant 0 : i32
      %lt3A_83 = arith.cmpi slt, %rem3A_79, %lt3A_82 : i32
      %lt3A_84 = arith.constant 0 : i32
      %lt3A_85 = arith.cmpi slt, %select_n3A_78, %lt3A_84 : i32
      %ne3A_86 = arith.xori %lt3A_83, %lt3A_85 : i1
      %and3A_87 = arith.andi %ne3A_86, %ne3A_81 : i1
      %add3A_88 = arith.addi %rem3A_79, %select_n3A_78 : i32
      %select_n3A_89 = arith.select %and3A_87, %add3A_88, %rem3A_79 : i32
      %eq3A_90 = arith.constant 1 : i32
      %eq3A_91 = arith.cmpi eq, %select_n3A_89, %eq3A_90 : i32
      %convert_element_type3A_92 = arith.extui %eq3A_91 : i1 to i32
      %cond3A_93 = arith.constant 0 : i32
      %cond3A_94 = arith.cmpi ne, %convert_element_type3A_92, %cond3A_93 : i32
      scf.if %cond3A_94 {
        %dma_wait3A_95 = tpu.memref_slice %arg13[%multiple_of3A] : memref<25728xi32, #tpu.memory_space<vmem>> -> memref<128xi32, #tpu.memory_space<vmem>>
        %dma_wait3A_96 = arith.constant 0 : i32
        %dma_wait3A_97 = arith.constant 0 : i32
        %dma_wait3A_98 = tpu.memref_slice %arg2[%dma_wait3A_96, %dma_wait3A_97] : memref<400000x64xf32, #tpu.memory_space<hbm>> -> memref<400000x64xf32, #tpu.memory_space<hbm>>
        tpu.wait_indirect_dma semaphore(%arg19 : memref<!tpu.dma_semaphore, #tpu.memory_space<semaphore_mem>>) src(%dma_wait3A_98 : memref<400000x64xf32, #tpu.memory_space<hbm>>) dst(%arg15 : memref<128x64xf32, #tpu.memory_space<vmem>>)
        "tpu.region"() ({
          %run_scoped3A = tpu.sem_alloc : memref<!tpu.dma_semaphore, #tpu.memory_space<semaphore_mem>>
          %dma_start3A_99 = arith.constant 0 : i32
          %dma_start3A_100 = tpu.memref_slice %arg10[%multiple_of3A_57, %dma_start3A_99] : memref<819200x64xf32, #tpu.memory_space<hbm>> -> memref<128x64xf32, #tpu.memory_space<hbm>>
          %dma_start3A_101 = arith.constant 0 : i32
          %dma_start3A_102 = tpu.memref_slice %arg10[%multiple_of3A_57, %dma_start3A_101] : memref<819200x64xf32, #tpu.memory_space<hbm>> -> memref<128x64xf32, #tpu.memory_space<hbm>>
          tpu.enqueue_dma source(%arg15 : memref<128x64xf32, #tpu.memory_space<vmem>>) target(%dma_start3A_102 : memref<128x64xf32, #tpu.memory_space<hbm>>) target_semaphore(%run_scoped3A : memref<!tpu.dma_semaphore, #tpu.memory_space<semaphore_mem>>)
          %dma_wait3A_103 = arith.constant 0 : i32
          %dma_wait3A_104 = tpu.memref_slice %arg10[%multiple_of3A_57, %dma_wait3A_103] : memref<819200x64xf32, #tpu.memory_space<hbm>> -> memref<128x64xf32, #tpu.memory_space<hbm>>
          %dma_wait3A_105 = arith.constant 0 : i32
          %dma_wait3A_106 = tpu.memref_slice %arg10[%multiple_of3A_57, %dma_wait3A_105] : memref<819200x64xf32, #tpu.memory_space<hbm>> -> memref<128x64xf32, #tpu.memory_space<hbm>>
          tpu.wait_dma2 semaphore(%run_scoped3A : memref<!tpu.dma_semaphore, #tpu.memory_space<semaphore_mem>>) src(%arg15 : memref<128x64xf32, #tpu.memory_space<vmem>>) dst(%dma_wait3A_106 : memref<128x64xf32, #tpu.memory_space<hbm>>)
          tpu.yield
        }) : () -> ()
      } else {
      }
    }
    %while3A_23 = arith.constant 1 : i32
    scf.for %while3A_44 = %while3A_21 to %while3A_17 step %while3A_23  : i32 {
      %add3A_45 = arith.constant 1 : i32
      %add3A_46 = arith.addi %while3A_44, %add3A_45 : i32
      %lt3A_47 = arith.cmpi slt, %add3A_46, %squeeze3A : i32
      %convert_element_type3A_48 = arith.extui %lt3A_47 : i1 to i32
      %cond3A_49 = arith.constant 0 : i32
      %cond3A_50 = arith.cmpi ne, %convert_element_type3A_48, %cond3A_49 : i32
      scf.if %cond3A_50 {
        %add3A_95 = arith.constant 1 : i32
        %add3A_96 = arith.addi %while3A_44, %add3A_95 : i32
        %get3A_97 = arith.index_cast %add3A_96 : i32 to index
        %get3A_98 = tpu.vector_load %arg16[%get3A_97] {strides = array<i32>} : memref<240xi32, #tpu.memory_space<vmem>>, vector<16xi32>,
        %get3A_99 = vector.shape_cast %get3A_98 : vector<16xi32> to vector<16xi32>
        %slice3A_100 = vector.extract_strided_slice %get3A_99 {offsets = [0], sizes = [1], strides = [1]} : vector<16xi32> to vector<1xi32>
        %squeeze3A_101 = vector.extract %slice3A_100[0] : i32 from vector<1xi32>
        %multiple_of3A_102 = tpu.assume_multiple %squeeze3A_101, 8 : i32
        %jit3A_103 = arith.constant 2 : i32
        %eq3A_104 = arith.constant 0 : i32
        %eq3A_105 = arith.cmpi eq, %jit3A_103, %eq3A_104 : i32
        %jit3A_106 = arith.constant 1 : i32
        %select_n3A_107 = arith.select %eq3A_105, %jit3A_106, %jit3A_103 : i32
        %rem3A_108 = arith.remsi %add3A_96, %select_n3A_107 : i32
        %ne3A_109 = arith.constant 0 : i32
        %ne3A_110 = arith.cmpi ne, %rem3A_108, %ne3A_109 : i32
        %lt3A_111 = arith.constant 0 : i32
        %lt3A_112 = arith.cmpi slt, %rem3A_108, %lt3A_111 : i32
        %lt3A_113 = arith.constant 0 : i32
        %lt3A_114 = arith.cmpi slt, %select_n3A_107, %lt3A_113 : i32
        %ne3A_115 = arith.xori %lt3A_112, %lt3A_114 : i1
        %and3A_116 = arith.andi %ne3A_115, %ne3A_110 : i1
        %add3A_117 = arith.addi %rem3A_108, %select_n3A_107 : i32
        %select_n3A_118 = arith.select %and3A_116, %add3A_117, %rem3A_108 : i32
        %eq3A_119 = arith.constant 0 : i32
        %eq3A_120 = arith.cmpi eq, %select_n3A_118, %eq3A_119 : i32
        %convert_element_type3A_121 = arith.extui %eq3A_120 : i1 to i32
        %cond3A_122 = arith.constant 0 : i32
        %cond3A_123 = arith.cmpi ne, %convert_element_type3A_121, %cond3A_122 : i32
        scf.if %cond3A_123 {
          %dma_start3A_145 = tpu.memref_slice %arg13[%multiple_of3A_102] : memref<25728xi32, #tpu.memory_space<vmem>> -> memref<128xi32, #tpu.memory_space<vmem>>
          %dma_start3A_146 = arith.constant 0 : i32
          %dma_start3A_147 = arith.constant 0 : i32
          %dma_start3A_148 = tpu.memref_slice %arg2[%dma_start3A_146, %dma_start3A_147] : memref<400000x64xf32, #tpu.memory_space<hbm>> -> memref<400000x64xf32, #tpu.memory_space<hbm>>
          tpu.enqueue_indirect_dma source(%dma_start3A_148 : memref<400000x64xf32, #tpu.memory_space<hbm>>) target(%arg14 : memref<128x64xf32, #tpu.memory_space<vmem>>) offsets(%dma_start3A_145 : memref<128xi32, #tpu.memory_space<vmem>>) semaphore(%arg18 : memref<!tpu.dma_semaphore, #tpu.memory_space<semaphore_mem>>)
        } else {
        }
        %jit3A_124 = arith.constant 2 : i32
        %eq3A_125 = arith.constant 0 : i32
        %eq3A_126 = arith.cmpi eq, %jit3A_124, %eq3A_125 : i32
        %jit3A_127 = arith.constant 1 : i32
        %select_n3A_128 = arith.select %eq3A_126, %jit3A_127, %jit3A_124 : i32
        %rem3A_129 = arith.remsi %add3A_96, %select_n3A_128 : i32
        %ne3A_130 = arith.constant 0 : i32
        %ne3A_131 = arith.cmpi ne, %rem3A_129, %ne3A_130 : i32
        %lt3A_132 = arith.constant 0 : i32
        %lt3A_133 = arith.cmpi slt, %rem3A_129, %lt3A_132 : i32
        %lt3A_134 = arith.constant 0 : i32
        %lt3A_135 = arith.cmpi slt, %select_n3A_128, %lt3A_134 : i32
        %ne3A_136 = arith.xori %lt3A_133, %lt3A_135 : i1
        %and3A_137 = arith.andi %ne3A_136, %ne3A_131 : i1
        %add3A_138 = arith.addi %rem3A_129, %select_n3A_128 : i32
        %select_n3A_139 = arith.select %and3A_137, %add3A_138, %rem3A_129 : i32
        %eq3A_140 = arith.constant 1 : i32
        %eq3A_141 = arith.cmpi eq, %select_n3A_139, %eq3A_140 : i32
        %convert_element_type3A_142 = arith.extui %eq3A_141 : i1 to i32
        %cond3A_143 = arith.constant 0 : i32
        %cond3A_144 = arith.cmpi ne, %convert_element_type3A_142, %cond3A_143 : i32
        scf.if %cond3A_144 {
          %dma_start3A_145 = tpu.memref_slice %arg13[%multiple_of3A_102] : memref<25728xi32, #tpu.memory_space<vmem>> -> memref<128xi32, #tpu.memory_space<vmem>>
          %dma_start3A_146 = arith.constant 0 : i32
          %dma_start3A_147 = arith.constant 0 : i32
          %dma_start3A_148 = tpu.memref_slice %arg2[%dma_start3A_146, %dma_start3A_147] : memref<400000x64xf32, #tpu.memory_space<hbm>> -> memref<400000x64xf32, #tpu.memory_space<hbm>>
          tpu.enqueue_indirect_dma source(%dma_start3A_148 : memref<400000x64xf32, #tpu.memory_space<hbm>>) target(%arg15 : memref<128x64xf32, #tpu.memory_space<vmem>>) offsets(%dma_start3A_145 : memref<128xi32, #tpu.memory_space<vmem>>) semaphore(%arg19 : memref<!tpu.dma_semaphore, #tpu.memory_space<semaphore_mem>>)
        } else {
        }
      } else {
      }
      %get3A_51 = arith.index_cast %while3A_44 : i32 to index
      %get3A_52 = tpu.vector_load %arg16[%get3A_51] {strides = array<i32>} : memref<240xi32, #tpu.memory_space<vmem>>, vector<16xi32>,
      %get3A_53 = vector.shape_cast %get3A_52 : vector<16xi32> to vector<16xi32>
      %slice3A_54 = vector.extract_strided_slice %get3A_53 {offsets = [0], sizes = [1], strides = [1]} : vector<16xi32> to vector<1xi32>
      %squeeze3A_55 = vector.extract %slice3A_54[0] : i32 from vector<1xi32>
      %multiple_of3A = tpu.assume_multiple %squeeze3A_55, 8 : i32
      %add3A_56 = arith.addi %mul3A_2, %multiple_of3A : i32
      %multiple_of3A_57 = tpu.assume_multiple %add3A_56, 8 : i32
      %jit3A = arith.constant 2 : i32
      %eq3A_58 = arith.constant 0 : i32
      %eq3A_59 = arith.cmpi eq, %jit3A, %eq3A_58 : i32
      %jit3A_60 = arith.constant 1 : i32
      %select_n3A = arith.select %eq3A_59, %jit3A_60, %jit3A : i32
      %rem3A = arith.remsi %while3A_44, %select_n3A : i32
      %ne3A = arith.constant 0 : i32
      %ne3A_61 = arith.cmpi ne, %rem3A, %ne3A : i32
      %lt3A_62 = arith.constant 0 : i32
      %lt3A_63 = arith.cmpi slt, %rem3A, %lt3A_62 : i32
      %lt3A_64 = arith.constant 0 : i32
      %lt3A_65 = arith.cmpi slt, %select_n3A, %lt3A_64 : i32
      %ne3A_66 = arith.xori %lt3A_63, %lt3A_65 : i1
      %and3A = arith.andi %ne3A_66, %ne3A_61 : i1
      %add3A_67 = arith.addi %rem3A, %select_n3A : i32
      %select_n3A_68 = arith.select %and3A, %add3A_67, %rem3A : i32
      %eq3A_69 = arith.constant 0 : i32
      %eq3A_70 = arith.cmpi eq, %select_n3A_68, %eq3A_69 : i32
      %convert_element_type3A_71 = arith.extui %eq3A_70 : i1 to i32
      %cond3A_72 = arith.constant 0 : i32
      %cond3A_73 = arith.cmpi ne, %convert_element_type3A_71, %cond3A_72 : i32
      scf.if %cond3A_73 {
        %dma_wait3A_95 = tpu.memref_slice %arg13[%multiple_of3A] : memref<25728xi32, #tpu.memory_space<vmem>> -> memref<128xi32, #tpu.memory_space<vmem>>
        %dma_wait3A_96 = arith.constant 0 : i32
        %dma_wait3A_97 = arith.constant 0 : i32
        %dma_wait3A_98 = tpu.memref_slice %arg2[%dma_wait3A_96, %dma_wait3A_97] : memref<400000x64xf32, #tpu.memory_space<hbm>> -> memref<400000x64xf32, #tpu.memory_space<hbm>>
        tpu.wait_indirect_dma semaphore(%arg18 : memref<!tpu.dma_semaphore, #tpu.memory_space<semaphore_mem>>) src(%dma_wait3A_98 : memref<400000x64xf32, #tpu.memory_space<hbm>>) dst(%arg14 : memref<128x64xf32, #tpu.memory_space<vmem>>)
        "tpu.region"() ({
          %run_scoped3A = tpu.sem_alloc : memref<!tpu.dma_semaphore, #tpu.memory_space<semaphore_mem>>
          %dma_start3A_99 = arith.constant 0 : i32
          %dma_start3A_100 = tpu.memref_slice %arg10[%multiple_of3A_57, %dma_start3A_99] : memref<819200x64xf32, #tpu.memory_space<hbm>> -> memref<128x64xf32, #tpu.memory_space<hbm>>
          %dma_start3A_101 = arith.constant 0 : i32
          %dma_start3A_102 = tpu.memref_slice %arg10[%multiple_of3A_57, %dma_start3A_101] : memref<819200x64xf32, #tpu.memory_space<hbm>> -> memref<128x64xf32, #tpu.memory_space<hbm>>
          tpu.enqueue_dma source(%arg14 : memref<128x64xf32, #tpu.memory_space<vmem>>) target(%dma_start3A_102 : memref<128x64xf32, #tpu.memory_space<hbm>>) target_semaphore(%run_scoped3A : memref<!tpu.dma_semaphore, #tpu.memory_space<semaphore_mem>>)
          %dma_wait3A_103 = arith.constant 0 : i32
          %dma_wait3A_104 = tpu.memref_slice %arg10[%multiple_of3A_57, %dma_wait3A_103] : memref<819200x64xf32, #tpu.memory_space<hbm>> -> memref<128x64xf32, #tpu.memory_space<hbm>>
          %dma_wait3A_105 = arith.constant 0 : i32
          %dma_wait3A_106 = tpu.memref_slice %arg10[%multiple_of3A_57, %dma_wait3A_105] : memref<819200x64xf32, #tpu.memory_space<hbm>> -> memref<128x64xf32, #tpu.memory_space<hbm>>
          tpu.wait_dma2 semaphore(%run_scoped3A : memref<!tpu.dma_semaphore, #tpu.memory_space<semaphore_mem>>) src(%arg14 : memref<128x64xf32, #tpu.memory_space<vmem>>) dst(%dma_wait3A_106 : memref<128x64xf32, #tpu.memory_space<hbm>>)
          tpu.yield
        }) : () -> ()
      } else {
      }
      %jit3A_74 = arith.constant 2 : i32
      %eq3A_75 = arith.constant 0 : i32
      %eq3A_76 = arith.cmpi eq, %jit3A_74, %eq3A_75 : i32
      %jit3A_77 = arith.constant 1 : i32
      %select_n3A_78 = arith.select %eq3A_76, %jit3A_77, %jit3A_74 : i32
      %rem3A_79 = arith.remsi %while3A_44, %select_n3A_78 : i32
      %ne3A_80 = arith.constant 0 : i32
      %ne3A_81 = arith.cmpi ne, %rem3A_79, %ne3A_80 : i32
      %lt3A_82 = arith.constant 0 : i32
      %lt3A_83 = arith.cmpi slt, %rem3A_79, %lt3A_82 : i32
      %lt3A_84 = arith.constant 0 : i32
      %lt3A_85 = arith.cmpi slt, %select_n3A_78, %lt3A_84 : i32
      %ne3A_86 = arith.xori %lt3A_83, %lt3A_85 : i1
      %and3A_87 = arith.andi %ne3A_86, %ne3A_81 : i1
      %add3A_88 = arith.addi %rem3A_79, %select_n3A_78 : i32
      %select_n3A_89 = arith.select %and3A_87, %add3A_88, %rem3A_79 : i32
      %eq3A_90 = arith.constant 1 : i32
      %eq3A_91 = arith.cmpi eq, %select_n3A_89, %eq3A_90 : i32
      %convert_element_type3A_92 = arith.extui %eq3A_91 : i1 to i32
      %cond3A_93 = arith.constant 0 : i32
      %cond3A_94 = arith.cmpi ne, %convert_element_type3A_92, %cond3A_93 : i32
      scf.if %cond3A_94 {
        %dma_wait3A_95 = tpu.memref_slice %arg13[%multiple_of3A] : memref<25728xi32, #tpu.memory_space<vmem>> -> memref<128xi32, #tpu.memory_space<vmem>>
        %dma_wait3A_96 = arith.constant 0 : i32
        %dma_wait3A_97 = arith.constant 0 : i32
        %dma_wait3A_98 = tpu.memref_slice %arg2[%dma_wait3A_96, %dma_wait3A_97] : memref<400000x64xf32, #tpu.memory_space<hbm>> -> memref<400000x64xf32, #tpu.memory_space<hbm>>
        tpu.wait_indirect_dma semaphore(%arg19 : memref<!tpu.dma_semaphore, #tpu.memory_space<semaphore_mem>>) src(%dma_wait3A_98 : memref<400000x64xf32, #tpu.memory_space<hbm>>) dst(%arg15 : memref<128x64xf32, #tpu.memory_space<vmem>>)
        "tpu.region"() ({
          %run_scoped3A = tpu.sem_alloc : memref<!tpu.dma_semaphore, #tpu.memory_space<semaphore_mem>>
          %dma_start3A_99 = arith.constant 0 : i32
          %dma_start3A_100 = tpu.memref_slice %arg10[%multiple_of3A_57, %dma_start3A_99] : memref<819200x64xf32, #tpu.memory_space<hbm>> -> memref<128x64xf32, #tpu.memory_space<hbm>>
          %dma_start3A_101 = arith.constant 0 : i32
          %dma_start3A_102 = tpu.memref_slice %arg10[%multiple_of3A_57, %dma_start3A_101] : memref<819200x64xf32, #tpu.memory_space<hbm>> -> memref<128x64xf32, #tpu.memory_space<hbm>>
          tpu.enqueue_dma source(%arg15 : memref<128x64xf32, #tpu.memory_space<vmem>>) target(%dma_start3A_102 : memref<128x64xf32, #tpu.memory_space<hbm>>) target_semaphore(%run_scoped3A : memref<!tpu.dma_semaphore, #tpu.memory_space<semaphore_mem>>)
          %dma_wait3A_103 = arith.constant 0 : i32
          %dma_wait3A_104 = tpu.memref_slice %arg10[%multiple_of3A_57, %dma_wait3A_103] : memref<819200x64xf32, #tpu.memory_space<hbm>> -> memref<128x64xf32, #tpu.memory_space<hbm>>
          %dma_wait3A_105 = arith.constant 0 : i32
          %dma_wait3A_106 = tpu.memref_slice %arg10[%multiple_of3A_57, %dma_wait3A_105] : memref<819200x64xf32, #tpu.memory_space<hbm>> -> memref<128x64xf32, #tpu.memory_space<hbm>>
          tpu.wait_dma2 semaphore(%run_scoped3A : memref<!tpu.dma_semaphore, #tpu.memory_space<semaphore_mem>>) src(%arg15 : memref<128x64xf32, #tpu.memory_space<vmem>>) dst(%dma_wait3A_106 : memref<128x64xf32, #tpu.memory_space<hbm>>)
          tpu.yield
        }) : () -> ()
      } else {
      }
    }
    %mul3A_24 = arith.constant 128 : i32
    %mul3A_25 = arith.muli %add3A, %mul3A_24 : i32
    "tpu.region"() ({
      %run_scoped3A = tpu.sem_alloc : memref<!tpu.dma_semaphore, #tpu.memory_space<semaphore_mem>>
      %dma_start3A_44 = arith.constant 0 : i32
      %dma_start3A_45 = tpu.memref_slice %arg13[%dma_start3A_44] : memref<25728xi32, #tpu.memory_space<vmem>> -> memref<128xi32, #tpu.memory_space<vmem>>
      %dma_start3A_46 = tpu.memref_slice %arg5[%mul3A_25] : memref<4096xi32, #tpu.memory_space<hbm>> -> memref<128xi32, #tpu.memory_space<hbm>>
      %dma_start3A_47 = arith.constant 0 : i32
      %dma_start3A_48 = tpu.memref_slice %arg13[%dma_start3A_47] : memref<25728xi32, #tpu.memory_space<vmem>> -> memref<128xi32, #tpu.memory_space<vmem>>
      %dma_start3A_49 = tpu.memref_slice %arg5[%mul3A_25] : memref<4096xi32, #tpu.memory_space<hbm>> -> memref<128xi32, #tpu.memory_space<hbm>>
      tpu.enqueue_dma source(%dma_start3A_49 : memref<128xi32, #tpu.memory_space<hbm>>) target(%dma_start3A_48 : memref<128xi32, #tpu.memory_space<vmem>>) target_semaphore(%run_scoped3A : memref<!tpu.dma_semaphore, #tpu.memory_space<semaphore_mem>>)
      %dma_wait3A_50 = arith.constant 0 : i32
      %dma_wait3A_51 = tpu.memref_slice %arg13[%dma_wait3A_50] : memref<25728xi32, #tpu.memory_space<vmem>> -> memref<128xi32, #tpu.memory_space<vmem>>
      %dma_wait3A_52 = tpu.memref_slice %arg5[%mul3A_25] : memref<4096xi32, #tpu.memory_space<hbm>> -> memref<128xi32, #tpu.memory_space<hbm>>
      %dma_wait3A_53 = arith.constant 0 : i32
      %dma_wait3A_54 = tpu.memref_slice %arg13[%dma_wait3A_53] : memref<25728xi32, #tpu.memory_space<vmem>> -> memref<128xi32, #tpu.memory_space<vmem>>
      %dma_wait3A_55 = tpu.memref_slice %arg5[%mul3A_25] : memref<4096xi32, #tpu.memory_space<hbm>> -> memref<128xi32, #tpu.memory_space<hbm>>
      tpu.wait_dma2 semaphore(%run_scoped3A : memref<!tpu.dma_semaphore, #tpu.memory_space<semaphore_mem>>) src(%dma_wait3A_55 : memref<128xi32, #tpu.memory_space<hbm>>) dst(%dma_wait3A_54 : memref<128xi32, #tpu.memory_space<vmem>>)
      tpu.yield
    }) : () -> ()
    %dma_start3A = arith.constant 0 : i32
    %dma_start3A_26 = tpu.memref_slice %arg13[%dma_start3A] : memref<25728xi32, #tpu.memory_space<vmem>> -> memref<128xi32, #tpu.memory_space<vmem>>
    %dma_start3A_27 = arith.constant 0 : i32
    %dma_start3A_28 = arith.constant 0 : i32
    %dma_start3A_29 = tpu.memref_slice %arg4[%dma_start3A_27, %dma_start3A_28] : memref<400000x64xf32, #tpu.memory_space<hbm>> -> memref<400000x64xf32, #tpu.memory_space<hbm>>
    tpu.enqueue_indirect_dma source(%dma_start3A_29 : memref<400000x64xf32, #tpu.memory_space<hbm>>) target(%arg14 : memref<128x64xf32, #tpu.memory_space<vmem>>) offsets(%dma_start3A_26 : memref<128xi32, #tpu.memory_space<vmem>>) semaphore(%arg18 : memref<!tpu.dma_semaphore, #tpu.memory_space<semaphore_mem>>)
    %dma_wait3A = arith.constant 0 : i32
    %dma_wait3A_30 = tpu.memref_slice %arg13[%dma_wait3A] : memref<25728xi32, #tpu.memory_space<vmem>> -> memref<128xi32, #tpu.memory_space<vmem>>
    %dma_wait3A_31 = arith.constant 0 : i32
    %dma_wait3A_32 = arith.constant 0 : i32
    %dma_wait3A_33 = tpu.memref_slice %arg4[%dma_wait3A_31, %dma_wait3A_32] : memref<400000x64xf32, #tpu.memory_space<hbm>> -> memref<400000x64xf32, #tpu.memory_space<hbm>>
    tpu.wait_indirect_dma semaphore(%arg18 : memref<!tpu.dma_semaphore, #tpu.memory_space<semaphore_mem>>) src(%dma_wait3A_33 : memref<400000x64xf32, #tpu.memory_space<hbm>>) dst(%arg14 : memref<128x64xf32, #tpu.memory_space<vmem>>)
    "tpu.region"() ({
      %run_scoped3A = tpu.sem_alloc : memref<!tpu.dma_semaphore, #tpu.memory_space<semaphore_mem>>
      %dma_start3A_44 = arith.constant 0 : i32
      %dma_start3A_45 = tpu.memref_slice %arg11[%mul3A_25, %dma_start3A_44] : memref<4096x64xf32, #tpu.memory_space<hbm>> -> memref<128x64xf32, #tpu.memory_space<hbm>>
      %dma_start3A_46 = arith.constant 0 : i32
      %dma_start3A_47 = tpu.memref_slice %arg11[%mul3A_25, %dma_start3A_46] : memref<4096x64xf32, #tpu.memory_space<hbm>> -> memref<128x64xf32, #tpu.memory_space<hbm>>
      tpu.enqueue_dma source(%arg14 : memref<128x64xf32, #tpu.memory_space<vmem>>) target(%dma_start3A_47 : memref<128x64xf32, #tpu.memory_space<hbm>>) target_semaphore(%run_scoped3A : memref<!tpu.dma_semaphore, #tpu.memory_space<semaphore_mem>>)
      %dma_wait3A_48 = arith.constant 0 : i32
      %dma_wait3A_49 = tpu.memref_slice %arg11[%mul3A_25, %dma_wait3A_48] : memref<4096x64xf32, #tpu.memory_space<hbm>> -> memref<128x64xf32, #tpu.memory_space<hbm>>
      %dma_wait3A_50 = arith.constant 0 : i32
      %dma_wait3A_51 = tpu.memref_slice %arg11[%mul3A_25, %dma_wait3A_50] : memref<4096x64xf32, #tpu.memory_space<hbm>> -> memref<128x64xf32, #tpu.memory_space<hbm>>
      tpu.wait_dma2 semaphore(%run_scoped3A : memref<!tpu.dma_semaphore, #tpu.memory_space<semaphore_mem>>) src(%arg14 : memref<128x64xf32, #tpu.memory_space<vmem>>) dst(%dma_wait3A_51 : memref<128x64xf32, #tpu.memory_space<hbm>>)
      tpu.yield
    }) : () -> ()
    "tpu.region"() ({
      %run_scoped3A = tpu.sem_alloc : memref<!tpu.dma_semaphore, #tpu.memory_space<semaphore_mem>>
      %dma_start3A_44 = arith.constant 0 : i32
      %dma_start3A_45 = tpu.memref_slice %arg13[%dma_start3A_44] : memref<25728xi32, #tpu.memory_space<vmem>> -> memref<128xi32, #tpu.memory_space<vmem>>
      %dma_start3A_46 = tpu.memref_slice %arg7[%mul3A_25] : memref<4096xi32, #tpu.memory_space<hbm>> -> memref<128xi32, #tpu.memory_space<hbm>>
      %dma_start3A_47 = arith.constant 0 : i32
      %dma_start3A_48 = tpu.memref_slice %arg13[%dma_start3A_47] : memref<25728xi32, #tpu.memory_space<vmem>> -> memref<128xi32, #tpu.memory_space<vmem>>
      %dma_start3A_49 = tpu.memref_slice %arg7[%mul3A_25] : memref<4096xi32, #tpu.memory_space<hbm>> -> memref<128xi32, #tpu.memory_space<hbm>>
      tpu.enqueue_dma source(%dma_start3A_49 : memref<128xi32, #tpu.memory_space<hbm>>) target(%dma_start3A_48 : memref<128xi32, #tpu.memory_space<vmem>>) target_semaphore(%run_scoped3A : memref<!tpu.dma_semaphore, #tpu.memory_space<semaphore_mem>>)
      %dma_wait3A_50 = arith.constant 0 : i32
      %dma_wait3A_51 = tpu.memref_slice %arg13[%dma_wait3A_50] : memref<25728xi32, #tpu.memory_space<vmem>> -> memref<128xi32, #tpu.memory_space<vmem>>
      %dma_wait3A_52 = tpu.memref_slice %arg7[%mul3A_25] : memref<4096xi32, #tpu.memory_space<hbm>> -> memref<128xi32, #tpu.memory_space<hbm>>
      %dma_wait3A_53 = arith.constant 0 : i32
      %dma_wait3A_54 = tpu.memref_slice %arg13[%dma_wait3A_53] : memref<25728xi32, #tpu.memory_space<vmem>> -> memref<128xi32, #tpu.memory_space<vmem>>
      %dma_wait3A_55 = tpu.memref_slice %arg7[%mul3A_25] : memref<4096xi32, #tpu.memory_space<hbm>> -> memref<128xi32, #tpu.memory_space<hbm>>
      tpu.wait_dma2 semaphore(%run_scoped3A : memref<!tpu.dma_semaphore, #tpu.memory_space<semaphore_mem>>) src(%dma_wait3A_55 : memref<128xi32, #tpu.memory_space<hbm>>) dst(%dma_wait3A_54 : memref<128xi32, #tpu.memory_space<vmem>>)
      tpu.yield
    }) : () -> ()
    %dma_start3A_34 = arith.constant 0 : i32
    %dma_start3A_35 = tpu.memref_slice %arg13[%dma_start3A_34] : memref<25728xi32, #tpu.memory_space<vmem>> -> memref<128xi32, #tpu.memory_space<vmem>>
    %dma_start3A_36 = arith.constant 0 : i32
    %dma_start3A_37 = arith.constant 0 : i32
    %dma_start3A_38 = tpu.memref_slice %arg6[%dma_start3A_36, %dma_start3A_37] : memref<400000x64xf32, #tpu.memory_space<hbm>> -> memref<400000x64xf32, #tpu.memory_space<hbm>>
    tpu.enqueue_indirect_dma source(%dma_start3A_38 : memref<400000x64xf32, #tpu.memory_space<hbm>>) target(%arg14 : memref<128x64xf32, #tpu.memory_space<vmem>>) offsets(%dma_start3A_35 : memref<128xi32, #tpu.memory_space<vmem>>) semaphore(%arg18 : memref<!tpu.dma_semaphore, #tpu.memory_space<semaphore_mem>>)
    %dma_wait3A_39 = arith.constant 0 : i32
    %dma_wait3A_40 = tpu.memref_slice %arg13[%dma_wait3A_39] : memref<25728xi32, #tpu.memory_space<vmem>> -> memref<128xi32, #tpu.memory_space<vmem>>
    %dma_wait3A_41 = arith.constant 0 : i32
    %dma_wait3A_42 = arith.constant 0 : i32
    %dma_wait3A_43 = tpu.memref_slice %arg6[%dma_wait3A_41, %dma_wait3A_42] : memref<400000x64xf32, #tpu.memory_space<hbm>> -> memref<400000x64xf32, #tpu.memory_space<hbm>>
    tpu.wait_indirect_dma semaphore(%arg18 : memref<!tpu.dma_semaphore, #tpu.memory_space<semaphore_mem>>) src(%dma_wait3A_43 : memref<400000x64xf32, #tpu.memory_space<hbm>>) dst(%arg14 : memref<128x64xf32, #tpu.memory_space<vmem>>)
    "tpu.region"() ({
      %run_scoped3A = tpu.sem_alloc : memref<!tpu.dma_semaphore, #tpu.memory_space<semaphore_mem>>
      %dma_start3A_44 = arith.constant 0 : i32
      %dma_start3A_45 = tpu.memref_slice %arg12[%mul3A_25, %dma_start3A_44] : memref<4096x64xf32, #tpu.memory_space<hbm>> -> memref<128x64xf32, #tpu.memory_space<hbm>>
      %dma_start3A_46 = arith.constant 0 : i32
      %dma_start3A_47 = tpu.memref_slice %arg12[%mul3A_25, %dma_start3A_46] : memref<4096x64xf32, #tpu.memory_space<hbm>> -> memref<128x64xf32, #tpu.memory_space<hbm>>
      tpu.enqueue_dma source(%arg14 : memref<128x64xf32, #tpu.memory_space<vmem>>) target(%dma_start3A_47 : memref<128x64xf32, #tpu.memory_space<hbm>>) target_semaphore(%run_scoped3A : memref<!tpu.dma_semaphore, #tpu.memory_space<semaphore_mem>>)
      %dma_wait3A_48 = arith.constant 0 : i32
      %dma_wait3A_49 = tpu.memref_slice %arg12[%mul3A_25, %dma_wait3A_48] : memref<4096x64xf32, #tpu.memory_space<hbm>> -> memref<128x64xf32, #tpu.memory_space<hbm>>
      %dma_wait3A_50 = arith.constant 0 : i32
      %dma_wait3A_51 = tpu.memref_slice %arg12[%mul3A_25, %dma_wait3A_50] : memref<4096x64xf32, #tpu.memory_space<hbm>> -> memref<128x64xf32, #tpu.memory_space<hbm>>
      tpu.wait_dma2 semaphore(%run_scoped3A : memref<!tpu.dma_semaphore, #tpu.memory_space<semaphore_mem>>) src(%arg14 : memref<128x64xf32, #tpu.memory_space<vmem>>) dst(%dma_wait3A_51 : memref<128x64xf32, #tpu.memory_space<hbm>>)
      tpu.yield
    }) : () -> ()
    return
  }
}

module attributes {stable_mosaic.version = 14 : i64} {
  func.func @_tc_body(%arg0: i32, %arg1: i32, %arg2: memref<64x2x128xf32, #tpu.memory_space<vmem>>, %arg3: memref<64x2x128xf32, #tpu.memory_space<vmem>>, %arg4: memref<64x1x80x128xf32, #tpu.memory_space<vmem>>, %arg5: memref<64x1xf32, #tpu.memory_space<vmem>>, %arg6: memref<256x128xf32, #tpu.memory_space<vmem>>, %arg7: memref<1x128xf32, #tpu.memory_space<vmem>>, %arg8: memref<256x128xf32, #tpu.memory_space<vmem>>, %arg9: memref<1x128xf32, #tpu.memory_space<vmem>>, %arg10: memref<256x128xf32, #tpu.memory_space<vmem>>, %arg11: memref<1x128xf32, #tpu.memory_space<vmem>>, %arg12: memref<512x64xf32, #tpu.memory_space<vmem>>, %arg13: memref<1x64xf32, #tpu.memory_space<vmem>>, %arg14: memref<1x64xf32, #tpu.memory_space<vmem>>, %arg15: memref<384x512xf32, #tpu.memory_space<vmem>>, %arg16: memref<1x512xf32, #tpu.memory_space<vmem>>, %arg17: memref<512x256xf32, #tpu.memory_space<vmem>>, %arg18: memref<1x256xf32, #tpu.memory_space<vmem>>, %arg19: memref<256x128xf32, #tpu.memory_space<vmem>>, %arg20: memref<1x128xf32, #tpu.memory_space<vmem>>, %arg21: memref<128x1xf32, #tpu.memory_space<vmem>>, %arg22: memref<1x1xf32, #tpu.memory_space<vmem>>, %arg23: memref<64x1xf32, #tpu.memory_space<vmem>>, %arg24: memref<64x128xf32, #tpu.memory_space<vmem>>, %arg25: memref<64x128xf32, #tpu.memory_space<vmem>>, %arg26: memref<64x64xf32, #tpu.memory_space<vmem>>, %arg27: memref<64x1xf32, #tpu.memory_space<vmem>>, %arg28: memref<64x1xf32, #tpu.memory_space<vmem>>, %arg29: memref<64x128xf32, #tpu.memory_space<vmem>>) attributes {dimension_semantics = [#tpu.dimension_semantics<arbitrary>, #tpu.dimension_semantics<arbitrary>], iteration_bounds = array<i64: 16, 5>, scalar_prefetch = 0 : i64, scratch_operands = 6 : i64, tpu.core_type = #tpu.core_type<tc>, window_params = [{transform_indices = @transform_0, window_bounds = array<i64: 64, 2, 128>}, {transform_indices = @transform_1, window_bounds = array<i64: 64, 2, 128>}, {transform_indices = @transform_2, window_bounds = array<i64: 64, 1, 80, 128>}, {transform_indices = @transform_3, window_bounds = array<i64: 64, 1>}, {pipeline_mode = #tpu.pipeline_mode<synchronous>, transform_indices = @transform_4, window_bounds = array<i64: 256, 128>}, {pipeline_mode = #tpu.pipeline_mode<synchronous>, transform_indices = @transform_5, window_bounds = array<i64: 1, 128>}, {pipeline_mode = #tpu.pipeline_mode<synchronous>, transform_indices = @transform_6, window_bounds = array<i64: 256, 128>}, {pipeline_mode = #tpu.pipeline_mode<synchronous>, transform_indices = @transform_7, window_bounds = array<i64: 1, 128>}, {pipeline_mode = #tpu.pipeline_mode<synchronous>, transform_indices = @transform_8, window_bounds = array<i64: 256, 128>}, {pipeline_mode = #tpu.pipeline_mode<synchronous>, transform_indices = @transform_9, window_bounds = array<i64: 1, 128>}, {pipeline_mode = #tpu.pipeline_mode<synchronous>, transform_indices = @transform_10, window_bounds = array<i64: 512, 64>}, {pipeline_mode = #tpu.pipeline_mode<synchronous>, transform_indices = @transform_11, window_bounds = array<i64: 1, 64>}, {pipeline_mode = #tpu.pipeline_mode<synchronous>, transform_indices = @transform_12, window_bounds = array<i64: 1, 64>}, {pipeline_mode = #tpu.pipeline_mode<synchronous>, transform_indices = @transform_13, window_bounds = array<i64: 384, 512>}, {pipeline_mode = #tpu.pipeline_mode<synchronous>, transform_indices = @transform_14, window_bounds = array<i64: 1, 512>}, {pipeline_mode = #tpu.pipeline_mode<synchronous>, transform_indices = @transform_15, window_bounds = array<i64: 512, 256>}, {pipeline_mode = #tpu.pipeline_mode<synchronous>, transform_indices = @transform_16, window_bounds = array<i64: 1, 256>}, {pipeline_mode = #tpu.pipeline_mode<synchronous>, transform_indices = @transform_17, window_bounds = array<i64: 256, 128>}, {pipeline_mode = #tpu.pipeline_mode<synchronous>, transform_indices = @transform_18, window_bounds = array<i64: 1, 128>}, {pipeline_mode = #tpu.pipeline_mode<synchronous>, transform_indices = @transform_19, window_bounds = array<i64: 128, 1>}, {pipeline_mode = #tpu.pipeline_mode<synchronous>, transform_indices = @transform_20, window_bounds = array<i64: 1, 1>}, {transform_indices = @transform_21, window_bounds = array<i64: 64, 1>}]} {
    %eq3A = arith.constant 0 : i32
    %eq3A_0 = arith.cmpi eq, %arg1, %eq3A : i32
    %convert_element_type3A = arith.extui %eq3A_0 : i1 to i32
    %cond3A = arith.constant 0 : i32
    %cond3A_1 = arith.cmpi ne, %convert_element_type3A, %cond3A : i32
    scf.if %cond3A_1 {
      %get3A_131 = arith.constant 0 : index
      %get3A_132 = arith.constant 0 : index
      %get3A_133 = arith.constant 0 : index
      %get3A_134 = vector.load %arg2[%get3A_131, %get3A_132, %get3A_133] : memref<64x2x128xf32, #tpu.memory_space<vmem>>, vector<64x2x128xf32>
      %slice3A_135 = vector.extract_strided_slice %get3A_134 {offsets = [0, 0, 0], sizes = [64, 1, 128], strides = [1, 1, 1]} : vector<64x2x128xf32> to vector<64x1x128xf32>
      %squeeze3A_136 = vector.shape_cast %slice3A_135 : vector<64x1x128xf32> to vector<64x128xf32>
      %get3A_137 = arith.constant 0 : index
      %get3A_138 = arith.constant 0 : index
      %get3A_139 = vector.load %arg6[%get3A_137, %get3A_138] : memref<256x128xf32, #tpu.memory_space<vmem>>, vector<256x128xf32>
      %slice3A_140 = vector.extract_strided_slice %get3A_139 {offsets = [0, 0], sizes = [128, 128], strides = [1, 1]} : vector<256x128xf32> to vector<128x128xf32>
      %dot_general3A_141 = arith.constant dense<0.000000e+00> : vector<64x128xf32>
      %dot_general3A_142 = tpu.matmul %squeeze3A_136, %slice3A_140, %dot_general3A_141 {dimension_numbers = #tpu.dot_dimension_numbers<[1], [0], [0], [1], [0, 0, 1, 1], [], []>, transpose_lhs_hint = false} : vector<64x128xf32>, vector<128x128xf32>, vector<64x128xf32> -> vector<64x128xf32>
      %slice3A_143 = vector.extract_strided_slice %get3A_134 {offsets = [0, 1, 0], sizes = [64, 1, 128], strides = [1, 1, 1]} : vector<64x2x128xf32> to vector<64x1x128xf32>
      %squeeze3A_144 = vector.shape_cast %slice3A_143 : vector<64x1x128xf32> to vector<64x128xf32>
      %get3A_145 = arith.constant 0 : index
      %get3A_146 = arith.constant 0 : index
      %get3A_147 = vector.load %arg6[%get3A_145, %get3A_146] : memref<256x128xf32, #tpu.memory_space<vmem>>, vector<256x128xf32>
      %slice3A_148 = vector.extract_strided_slice %get3A_147 {offsets = [128, 0], sizes = [128, 128], strides = [1, 1]} : vector<256x128xf32> to vector<128x128xf32>
      %dot_general3A_149 = arith.constant dense<0.000000e+00> : vector<64x128xf32>
      %dot_general3A_150 = tpu.matmul %squeeze3A_144, %slice3A_148, %dot_general3A_149 {dimension_numbers = #tpu.dot_dimension_numbers<[1], [0], [0], [1], [0, 0, 1, 1], [], []>, transpose_lhs_hint = false} : vector<64x128xf32>, vector<128x128xf32>, vector<64x128xf32> -> vector<64x128xf32>
      %add3A_151 = arith.addf %dot_general3A_142, %dot_general3A_150 : vector<64x128xf32>
      %get3A_152 = arith.constant 0 : index
      %get3A_153 = arith.constant 0 : index
      %get3A_154 = vector.load %arg7[%get3A_152, %get3A_153] : memref<1x128xf32, #tpu.memory_space<vmem>>, vector<1x128xf32>
      %add3A_155 = vector.broadcast %get3A_154 : vector<1x128xf32> to vector<64x128xf32>
      %add3A_156 = arith.addf %add3A_151, %add3A_155 : vector<64x128xf32>
      %max3A_157 = arith.constant 0.000000e+00 : f32
      %max3A_158 = vector.broadcast %max3A_157 : f32 to vector<64x128xf32>
      %max3A_159 = arith.maximumf %add3A_156, %max3A_158 : vector<64x128xf32>
      %swap3A_160 = arith.constant 0 : index
      %swap3A_161 = arith.constant 0 : index
      %swap3A_162 = vector.load %arg24[%swap3A_160, %swap3A_161] : memref<64x128xf32, #tpu.memory_space<vmem>>, vector<64x128xf32>
      tpu.vector_store %arg24[%swap3A_160, %swap3A_161], %max3A_159 {strides = array<i32>} : memref<64x128xf32, #tpu.memory_space<vmem>>, vector<64x128xf32>,
      %get3A_163 = arith.constant 0 : index
      %get3A_164 = arith.constant 0 : index
      %get3A_165 = arith.constant 0 : index
      %get3A_166 = vector.load %arg3[%get3A_163, %get3A_164, %get3A_165] : memref<64x2x128xf32, #tpu.memory_space<vmem>>, vector<64x2x128xf32>
      %slice3A_167 = vector.extract_strided_slice %get3A_166 {offsets = [0, 0, 0], sizes = [64, 1, 128], strides = [1, 1, 1]} : vector<64x2x128xf32> to vector<64x1x128xf32>
      %squeeze3A_168 = vector.shape_cast %slice3A_167 : vector<64x1x128xf32> to vector<64x128xf32>
      %get3A_169 = arith.constant 0 : index
      %get3A_170 = arith.constant 0 : index
      %get3A_171 = vector.load %arg10[%get3A_169, %get3A_170] : memref<256x128xf32, #tpu.memory_space<vmem>>, vector<256x128xf32>
      %slice3A_172 = vector.extract_strided_slice %get3A_171 {offsets = [0, 0], sizes = [128, 128], strides = [1, 1]} : vector<256x128xf32> to vector<128x128xf32>
      %dot_general3A_173 = arith.constant dense<0.000000e+00> : vector<64x128xf32>
      %dot_general3A_174 = tpu.matmul %squeeze3A_168, %slice3A_172, %dot_general3A_173 {dimension_numbers = #tpu.dot_dimension_numbers<[1], [0], [0], [1], [0, 0, 1, 1], [], []>, transpose_lhs_hint = false} : vector<64x128xf32>, vector<128x128xf32>, vector<64x128xf32> -> vector<64x128xf32>
      %slice3A_175 = vector.extract_strided_slice %get3A_166 {offsets = [0, 1, 0], sizes = [64, 1, 128], strides = [1, 1, 1]} : vector<64x2x128xf32> to vector<64x1x128xf32>
      %squeeze3A_176 = vector.shape_cast %slice3A_175 : vector<64x1x128xf32> to vector<64x128xf32>
      %get3A_177 = arith.constant 0 : index
      %get3A_178 = arith.constant 0 : index
      %get3A_179 = vector.load %arg10[%get3A_177, %get3A_178] : memref<256x128xf32, #tpu.memory_space<vmem>>, vector<256x128xf32>
      %slice3A_180 = vector.extract_strided_slice %get3A_179 {offsets = [128, 0], sizes = [128, 128], strides = [1, 1]} : vector<256x128xf32> to vector<128x128xf32>
      %dot_general3A_181 = arith.constant dense<0.000000e+00> : vector<64x128xf32>
      %dot_general3A_182 = tpu.matmul %squeeze3A_176, %slice3A_180, %dot_general3A_181 {dimension_numbers = #tpu.dot_dimension_numbers<[1], [0], [0], [1], [0, 0, 1, 1], [], []>, transpose_lhs_hint = false} : vector<64x128xf32>, vector<128x128xf32>, vector<64x128xf32> -> vector<64x128xf32>
      %add3A_183 = arith.addf %dot_general3A_174, %dot_general3A_182 : vector<64x128xf32>
      %get3A_184 = arith.constant 0 : index
      %get3A_185 = arith.constant 0 : index
      %get3A_186 = vector.load %arg11[%get3A_184, %get3A_185] : memref<1x128xf32, #tpu.memory_space<vmem>>, vector<1x128xf32>
      %add3A_187 = vector.broadcast %get3A_186 : vector<1x128xf32> to vector<64x128xf32>
      %add3A_188 = arith.addf %add3A_183, %add3A_187 : vector<64x128xf32>
      %max3A_189 = arith.constant 0.000000e+00 : f32
      %max3A_190 = vector.broadcast %max3A_189 : f32 to vector<64x128xf32>
      %max3A_191 = arith.maximumf %add3A_188, %max3A_190 : vector<64x128xf32>
      %swap3A_192 = arith.constant 0 : index
      %swap3A_193 = arith.constant 0 : index
      %swap3A_194 = vector.load %arg25[%swap3A_192, %swap3A_193] : memref<64x128xf32, #tpu.memory_space<vmem>>, vector<64x128xf32>
      tpu.vector_store %arg25[%swap3A_192, %swap3A_193], %max3A_191 {strides = array<i32>} : memref<64x128xf32, #tpu.memory_space<vmem>>, vector<64x128xf32>,
      %get3A_195 = arith.constant 0 : index
      %get3A_196 = arith.constant 0 : index
      %get3A_197 = vector.load %arg12[%get3A_195, %get3A_196] : memref<512x64xf32, #tpu.memory_space<vmem>>, vector<512x64xf32>
      %slice3A_198 = vector.extract_strided_slice %get3A_197 {offsets = [0, 0], sizes = [128, 64], strides = [1, 1]} : vector<512x64xf32> to vector<128x64xf32>
      %slice3A_199 = vector.extract_strided_slice %get3A_197 {offsets = [256, 0], sizes = [128, 64], strides = [1, 1]} : vector<512x64xf32> to vector<128x64xf32>
      %add3A_200 = arith.addf %slice3A_198, %slice3A_199 : vector<128x64xf32>
      %dot_general3A_201 = arith.constant dense<0.000000e+00> : vector<64x64xf32>
      %dot_general3A_202 = tpu.matmul %max3A_159, %add3A_200, %dot_general3A_201 {dimension_numbers = #tpu.dot_dimension_numbers<[1], [0], [0], [1], [0, 0, 1, 1], [], []>, transpose_lhs_hint = false} : vector<64x128xf32>, vector<128x64xf32>, vector<64x64xf32> -> vector<64x64xf32>
      %get3A_203 = arith.constant 0 : index
      %get3A_204 = arith.constant 0 : index
      %get3A_205 = vector.load %arg13[%get3A_203, %get3A_204] : memref<1x64xf32, #tpu.memory_space<vmem>>, vector<1x64xf32>
      %add3A_206 = vector.broadcast %get3A_205 : vector<1x64xf32> to vector<64x64xf32>
      %add3A_207 = arith.addf %dot_general3A_202, %add3A_206 : vector<64x64xf32>
      %swap3A_208 = arith.constant 0 : index
      %swap3A_209 = arith.constant 0 : index
      %swap3A_210 = vector.load %arg26[%swap3A_208, %swap3A_209] : memref<64x64xf32, #tpu.memory_space<vmem>>, vector<64x64xf32>
      tpu.vector_store %arg26[%swap3A_208, %swap3A_209], %add3A_207 {strides = array<i32>} : memref<64x64xf32, #tpu.memory_space<vmem>>, vector<64x64xf32>,
      %broadcast_in_dim3A_211 = arith.constant -1.000000e+30 : f32
      %broadcast_in_dim3A_212 = vector.broadcast %broadcast_in_dim3A_211 : f32 to vector<64x1xf32>
      %swap3A_213 = arith.constant 0 : index
      %swap3A_214 = arith.constant 0 : index
      %swap3A_215 = vector.load %arg27[%swap3A_213, %swap3A_214] : memref<64x1xf32, #tpu.memory_space<vmem>>, vector<64x1xf32>
      tpu.vector_store %arg27[%swap3A_213, %swap3A_214], %broadcast_in_dim3A_212 {strides = array<i32>} : memref<64x1xf32, #tpu.memory_space<vmem>>, vector<64x1xf32>,
      %broadcast_in_dim3A_216 = arith.constant 0.000000e+00 : f32
      %broadcast_in_dim3A_217 = vector.broadcast %broadcast_in_dim3A_216 : f32 to vector<64x1xf32>
      %swap3A_218 = arith.constant 0 : index
      %swap3A_219 = arith.constant 0 : index
      %swap3A_220 = vector.load %arg28[%swap3A_218, %swap3A_219] : memref<64x1xf32, #tpu.memory_space<vmem>>, vector<64x1xf32>
      tpu.vector_store %arg28[%swap3A_218, %swap3A_219], %broadcast_in_dim3A_217 {strides = array<i32>} : memref<64x1xf32, #tpu.memory_space<vmem>>, vector<64x1xf32>,
      %broadcast_in_dim3A_221 = arith.constant 0.000000e+00 : f32
      %broadcast_in_dim3A_222 = vector.broadcast %broadcast_in_dim3A_221 : f32 to vector<64x128xf32>
      %swap3A_223 = arith.constant 0 : index
      %swap3A_224 = arith.constant 0 : index
      %swap3A_225 = vector.load %arg29[%swap3A_223, %swap3A_224] : memref<64x128xf32, #tpu.memory_space<vmem>>, vector<64x128xf32>
      tpu.vector_store %arg29[%swap3A_223, %swap3A_224], %broadcast_in_dim3A_222 {strides = array<i32>} : memref<64x128xf32, #tpu.memory_space<vmem>>, vector<64x128xf32>,
    } else {
    }
    %get3A = arith.constant 0 : index
    %get3A_2 = arith.constant 0 : index
    %get3A_3 = arith.constant 0 : index
    %get3A_4 = arith.constant 0 : index
    %get3A_5 = vector.load %arg4[%get3A, %get3A_2, %get3A_3, %get3A_4] : memref<64x1x80x128xf32, #tpu.memory_space<vmem>>, vector<64x1x80x128xf32>
    %convert_element_type3A_6 = arith.truncf %get3A_5 : vector<64x1x80x128xf32> to vector<64x1x80x128xbf16>
    %reshape3A = vector.shape_cast %convert_element_type3A_6 : vector<64x1x80x128xbf16> to vector<64x40x2x128xbf16>
    %get3A_7 = arith.constant 0 : index
    %get3A_8 = arith.constant 0 : index
    %get3A_9 = vector.load %arg8[%get3A_7, %get3A_8] : memref<256x128xf32, #tpu.memory_space<vmem>>, vector<256x128xf32>
    %convert_element_type3A_10 = arith.truncf %get3A_9 : vector<256x128xf32> to vector<256x128xbf16>
    %slice3A = vector.extract_strided_slice %reshape3A {offsets = [0, 0, 0, 0], sizes = [64, 40, 1, 128], strides = [1, 1, 1, 1]} : vector<64x40x2x128xbf16> to vector<64x40x1x128xbf16>
    %squeeze3A = vector.shape_cast %slice3A : vector<64x40x1x128xbf16> to vector<64x40x128xbf16>
    %reshape3A_11 = vector.shape_cast %squeeze3A : vector<64x40x128xbf16> to vector<2560x128xbf16>
    %slice3A_12 = vector.extract_strided_slice %convert_element_type3A_10 {offsets = [0, 0], sizes = [128, 128], strides = [1, 1]} : vector<256x128xbf16> to vector<128x128xbf16>
    %dot_general3A = arith.constant dense<0.000000e+00> : vector<2560x128xf32>
    %dot_general3A_13 = tpu.matmul %reshape3A_11, %slice3A_12, %dot_general3A {dimension_numbers = #tpu.dot_dimension_numbers<[1], [0], [0], [1], [0, 0, 1, 1], [], []>, transpose_lhs_hint = false} : vector<2560x128xbf16>, vector<128x128xbf16>, vector<2560x128xf32> -> vector<2560x128xf32>
    %slice3A_14 = vector.extract_strided_slice %reshape3A {offsets = [0, 0, 1, 0], sizes = [64, 40, 1, 128], strides = [1, 1, 1, 1]} : vector<64x40x2x128xbf16> to vector<64x40x1x128xbf16>
    %squeeze3A_15 = vector.shape_cast %slice3A_14 : vector<64x40x1x128xbf16> to vector<64x40x128xbf16>
    %reshape3A_16 = vector.shape_cast %squeeze3A_15 : vector<64x40x128xbf16> to vector<2560x128xbf16>
    %slice3A_17 = vector.extract_strided_slice %convert_element_type3A_10 {offsets = [128, 0], sizes = [128, 128], strides = [1, 1]} : vector<256x128xbf16> to vector<128x128xbf16>
    %dot_general3A_18 = arith.constant dense<0.000000e+00> : vector<2560x128xf32>
    %dot_general3A_19 = tpu.matmul %reshape3A_16, %slice3A_17, %dot_general3A_18 {dimension_numbers = #tpu.dot_dimension_numbers<[1], [0], [0], [1], [0, 0, 1, 1], [], []>, transpose_lhs_hint = false} : vector<2560x128xbf16>, vector<128x128xbf16>, vector<2560x128xf32> -> vector<2560x128xf32>
    %add3A = arith.addf %dot_general3A_13, %dot_general3A_19 : vector<2560x128xf32>
    %get3A_20 = arith.constant 0 : index
    %get3A_21 = arith.constant 0 : index
    %get3A_22 = vector.load %arg9[%get3A_20, %get3A_21] : memref<1x128xf32, #tpu.memory_space<vmem>>, vector<1x128xf32>
    %add3A_23 = vector.broadcast %get3A_22 : vector<1x128xf32> to vector<2560x128xf32>
    %add3A_24 = arith.addf %add3A, %add3A_23 : vector<2560x128xf32>
    %max3A = arith.constant 0.000000e+00 : f32
    %max3A_25 = vector.broadcast %max3A : f32 to vector<2560x128xf32>
    %max3A_26 = arith.maximumf %add3A_24, %max3A_25 : vector<2560x128xf32>
    %iota3A = tpu.iota {dimensions = array<i32: 1>} : vector<64x40xi32>
    %mul3A = arith.constant 40 : i32
    %mul3A_27 = arith.muli %arg1, %mul3A : i32
    %add3A_28 = vector.broadcast %mul3A_27 : i32 to vector<64x40xi32>
    %add3A_29 = arith.addi %iota3A, %add3A_28 : vector<64x40xi32>
    %convert_element_type3A_30 = arith.sitofp %add3A_29 : vector<64x40xi32> to vector<64x40xf32>
    %get3A_31 = arith.constant 0 : index
    %get3A_32 = arith.constant 0 : index
    %get3A_33 = vector.load %arg5[%get3A_31, %get3A_32] : memref<64x1xf32, #tpu.memory_space<vmem>>, vector<64x1xf32>
    %lt3A = vector.broadcast %get3A_33 : vector<64x1xf32> to vector<64x40xf32>
    %lt3A_34 = arith.cmpf olt, %convert_element_type3A_30, %lt3A : vector<64x40xf32>
    %convert_element_type3A_35 = arith.extui %lt3A_34 : vector<64x40xi1> to vector<64x40xi32>
    %convert_element_type3A_36 = arith.sitofp %convert_element_type3A_35 : vector<64x40xi32> to vector<64x40xf32>
    %broadcast_in_dim3A = vector.shape_cast %convert_element_type3A_36 : vector<64x40xf32> to vector<64x40x1xf32>
    %broadcast_in_dim3A_37 = arith.constant 1.000000e+00 : f32
    %broadcast_in_dim3A_38 = vector.broadcast %broadcast_in_dim3A_37 : f32 to vector<1x1x128xf32>
    %mul3A_39 = vector.broadcast %broadcast_in_dim3A : vector<64x40x1xf32> to vector<64x40x128xf32>
    %mul3A_40 = vector.broadcast %broadcast_in_dim3A_38 : vector<1x1x128xf32> to vector<64x40x128xf32>
    %mul3A_41 = arith.mulf %mul3A_39, %mul3A_40 : vector<64x40x128xf32>
    %gt3A = arith.constant 5.000000e-01 : f32
    %gt3A_42 = vector.broadcast %gt3A : f32 to vector<64x40x128xf32>
    %gt3A_43 = arith.cmpf ogt, %mul3A_41, %gt3A_42 : vector<64x40x128xf32>
    %reshape3A_44 = vector.shape_cast %max3A_26 : vector<2560x128xf32> to vector<64x40x128xf32>
    %jit3A = arith.constant 0.000000e+00 : f32
    %broadcast_in_dim3A_45 = vector.broadcast %jit3A : f32 to vector<64x40x128xf32>
    %select_n3A = arith.select %gt3A_43, %reshape3A_44, %broadcast_in_dim3A_45 : vector<64x40x128xi1>, vector<64x40x128xf32>
    %get3A_46 = arith.constant 0 : index
    %get3A_47 = arith.constant 0 : index
    %get3A_48 = vector.load %arg12[%get3A_46, %get3A_47] : memref<512x64xf32, #tpu.memory_space<vmem>>, vector<512x64xf32>
    %reshape3A_49 = vector.shape_cast %select_n3A : vector<64x40x128xf32> to vector<2560x128xf32>
    %convert_element_type3A_50 = arith.truncf %reshape3A_49 : vector<2560x128xf32> to vector<2560x128xbf16>
    %slice3A_51 = vector.extract_strided_slice %get3A_48 {offsets = [128, 0], sizes = [128, 64], strides = [1, 1]} : vector<512x64xf32> to vector<128x64xf32>
    %slice3A_52 = vector.extract_strided_slice %get3A_48 {offsets = [256, 0], sizes = [128, 64], strides = [1, 1]} : vector<512x64xf32> to vector<128x64xf32>
    %sub3A = arith.subf %slice3A_51, %slice3A_52 : vector<128x64xf32>
    %convert_element_type3A_53 = arith.truncf %sub3A : vector<128x64xf32> to vector<128x64xbf16>
    %dot_general3A_54 = arith.constant dense<0.000000e+00> : vector<2560x64xf32>
    %dot_general3A_55 = tpu.matmul %convert_element_type3A_50, %convert_element_type3A_53, %dot_general3A_54 {dimension_numbers = #tpu.dot_dimension_numbers<[1], [0], [0], [1], [0, 0, 1, 1], [], []>, transpose_lhs_hint = false} : vector<2560x128xbf16>, vector<128x64xbf16>, vector<2560x64xf32> -> vector<2560x64xf32>
    %get3A_56 = arith.constant 0 : index
    %get3A_57 = arith.constant 0 : index
    %get3A_58 = vector.load %arg24[%get3A_56, %get3A_57] : memref<64x128xf32, #tpu.memory_space<vmem>>, vector<64x128xf32>
    %broadcast_in_dim3A_59 = vector.shape_cast %get3A_58 : vector<64x128xf32> to vector<64x1x128xf32>
    %mul3A_60 = vector.broadcast %broadcast_in_dim3A_59 : vector<64x1x128xf32> to vector<64x40x128xf32>
    %mul3A_61 = arith.mulf %mul3A_60, %select_n3A : vector<64x40x128xf32>
    %reshape3A_62 = vector.shape_cast %mul3A_61 : vector<64x40x128xf32> to vector<2560x128xf32>
    %convert_element_type3A_63 = arith.truncf %reshape3A_62 : vector<2560x128xf32> to vector<2560x128xbf16>
    %slice3A_64 = vector.extract_strided_slice %get3A_48 {offsets = [384, 0], sizes = [128, 64], strides = [1, 1]} : vector<512x64xf32> to vector<128x64xf32>
    %convert_element_type3A_65 = arith.truncf %slice3A_64 : vector<128x64xf32> to vector<128x64xbf16>
    %dot_general3A_66 = arith.constant dense<0.000000e+00> : vector<2560x64xf32>
    %dot_general3A_67 = tpu.matmul %convert_element_type3A_63, %convert_element_type3A_65, %dot_general3A_66 {dimension_numbers = #tpu.dot_dimension_numbers<[1], [0], [0], [1], [0, 0, 1, 1], [], []>, transpose_lhs_hint = false} : vector<2560x128xbf16>, vector<128x64xbf16>, vector<2560x64xf32> -> vector<2560x64xf32>
    %get3A_68 = arith.constant 0 : index
    %get3A_69 = arith.constant 0 : index
    %get3A_70 = vector.load %arg26[%get3A_68, %get3A_69] : memref<64x64xf32, #tpu.memory_space<vmem>>, vector<64x64xf32>
    %broadcast_in_dim3A_71 = vector.shape_cast %get3A_70 : vector<64x64xf32> to vector<64x1x64xf32>
    %add3A_72 = arith.addf %dot_general3A_55, %dot_general3A_67 : vector<2560x64xf32>
    %reshape3A_73 = vector.shape_cast %add3A_72 : vector<2560x64xf32> to vector<64x40x64xf32>
    %add3A_74 = vector.broadcast %broadcast_in_dim3A_71 : vector<64x1x64xf32> to vector<64x40x64xf32>
    %add3A_75 = arith.addf %add3A_74, %reshape3A_73 : vector<64x40x64xf32>
    %max3A_76 = arith.constant 0.000000e+00 : f32
    %max3A_77 = vector.broadcast %max3A_76 : f32 to vector<64x40x64xf32>
    %max3A_78 = arith.maximumf %add3A_75, %max3A_77 : vector<64x40x64xf32>
    %get3A_79 = arith.constant 0 : index
    %get3A_80 = arith.constant 0 : index
    %get3A_81 = vector.load %arg14[%get3A_79, %get3A_80] : memref<1x64xf32, #tpu.memory_space<vmem>>, vector<1x64xf32>
    %broadcast_in_dim3A_82 = vector.shape_cast %get3A_81 : vector<1x64xf32> to vector<1x1x64xf32>
    %mul3A_83 = vector.broadcast %broadcast_in_dim3A_82 : vector<1x1x64xf32> to vector<64x40x64xf32>
    %mul3A_84 = arith.mulf %max3A_78, %mul3A_83 : vector<64x40x64xf32>
    %reduce_sum3A = arith.constant dense<0.000000e+00> : vector<64x40xf32>
    %reduce_sum3A_85 = vector.multi_reduction <add>, %mul3A_84, %reduce_sum3A [2] : vector<64x40x64xf32> to vector<64x40xf32>
    %jit3A_86 = arith.constant -1.000000e+09 : f32
    %broadcast_in_dim3A_87 = vector.broadcast %jit3A_86 : f32 to vector<64x40xf32>
    %select_n3A_88 = arith.select %lt3A_34, %reduce_sum3A_85, %broadcast_in_dim3A_87 : vector<64x40xi1>, vector<64x40xf32>
    %get3A_89 = arith.constant 0 : index
    %get3A_90 = arith.constant 0 : index
    %get3A_91 = vector.load %arg27[%get3A_89, %get3A_90] : memref<64x1xf32, #tpu.memory_space<vmem>>, vector<64x1xf32>
    %reduce_max3A = arith.constant dense<0xFF800000> : vector<64xf32>
    %reduce_max3A_92 = vector.multi_reduction <maximumf>, %select_n3A_88, %reduce_max3A [1] : vector<64x40xf32> to vector<64xf32>
    %broadcast_in_dim3A_93 = vector.shape_cast %reduce_max3A_92 : vector<64xf32> to vector<64x1xf32>
    %max3A_94 = arith.maximumf %get3A_91, %broadcast_in_dim3A_93 : vector<64x1xf32>
    %sub3A_95 = arith.subf %get3A_91, %max3A_94 : vector<64x1xf32>
    %exp3A = math.exp %sub3A_95 : vector<64x1xf32>
    %sub3A_96 = vector.broadcast %max3A_94 : vector<64x1xf32> to vector<64x40xf32>
    %sub3A_97 = arith.subf %select_n3A_88, %sub3A_96 : vector<64x40xf32>
    %exp3A_98 = math.exp %sub3A_97 : vector<64x40xf32>
    %swap3A = arith.constant 0 : index
    %swap3A_99 = arith.constant 0 : index
    %swap3A_100 = vector.load %arg27[%swap3A, %swap3A_99] : memref<64x1xf32, #tpu.memory_space<vmem>>, vector<64x1xf32>
    tpu.vector_store %arg27[%swap3A, %swap3A_99], %max3A_94 {strides = array<i32>} : memref<64x1xf32, #tpu.memory_space<vmem>>, vector<64x1xf32>,
    %get3A_101 = arith.constant 0 : index
    %get3A_102 = arith.constant 0 : index
    %get3A_103 = vector.load %arg28[%get3A_101, %get3A_102] : memref<64x1xf32, #tpu.memory_space<vmem>>, vector<64x1xf32>
    %mul3A_104 = arith.mulf %get3A_103, %exp3A : vector<64x1xf32>
    %reduce_sum3A_105 = arith.constant dense<0.000000e+00> : vector<64xf32>
    %reduce_sum3A_106 = vector.multi_reduction <add>, %exp3A_98, %reduce_sum3A_105 [1] : vector<64x40xf32> to vector<64xf32>
    %broadcast_in_dim3A_107 = vector.shape_cast %reduce_sum3A_106 : vector<64xf32> to vector<64x1xf32>
    %add3A_108 = arith.addf %mul3A_104, %broadcast_in_dim3A_107 : vector<64x1xf32>
    %swap3A_109 = arith.constant 0 : index
    %swap3A_110 = arith.constant 0 : index
    %swap3A_111 = vector.load %arg28[%swap3A_109, %swap3A_110] : memref<64x1xf32, #tpu.memory_space<vmem>>, vector<64x1xf32>
    tpu.vector_store %arg28[%swap3A_109, %swap3A_110], %add3A_108 {strides = array<i32>} : memref<64x1xf32, #tpu.memory_space<vmem>>, vector<64x1xf32>,
    %get3A_112 = arith.constant 0 : index
    %get3A_113 = arith.constant 0 : index
    %get3A_114 = vector.load %arg29[%get3A_112, %get3A_113] : memref<64x128xf32, #tpu.memory_space<vmem>>, vector<64x128xf32>
    %mul3A_115 = vector.broadcast %exp3A : vector<64x1xf32> to vector<64x128xf32>
    %mul3A_116 = arith.mulf %get3A_114, %mul3A_115 : vector<64x128xf32>
    %broadcast_in_dim3A_117 = vector.shape_cast %exp3A_98 : vector<64x40xf32> to vector<64x40x1xf32>
    %mul3A_118 = vector.broadcast %broadcast_in_dim3A_117 : vector<64x40x1xf32> to vector<64x40x128xf32>
    %mul3A_119 = arith.mulf %mul3A_118, %select_n3A : vector<64x40x128xf32>
    %reduce_sum3A_120 = arith.constant dense<0.000000e+00> : vector<64x128xf32>
    %reduce_sum3A_121 = vector.multi_reduction <add>, %mul3A_119, %reduce_sum3A_120 [1] : vector<64x40x128xf32> to vector<64x128xf32>
    %add3A_122 = arith.addf %mul3A_116, %reduce_sum3A_121 : vector<64x128xf32>
    %swap3A_123 = arith.constant 0 : index
    %swap3A_124 = arith.constant 0 : index
    %swap3A_125 = vector.load %arg29[%swap3A_123, %swap3A_124] : memref<64x128xf32, #tpu.memory_space<vmem>>, vector<64x128xf32>
    tpu.vector_store %arg29[%swap3A_123, %swap3A_124], %add3A_122 {strides = array<i32>} : memref<64x128xf32, #tpu.memory_space<vmem>>, vector<64x128xf32>,
    %eq3A_126 = arith.constant 4 : i32
    %eq3A_127 = arith.cmpi eq, %arg1, %eq3A_126 : i32
    %convert_element_type3A_128 = arith.extui %eq3A_127 : i1 to i32
    %cond3A_129 = arith.constant 0 : i32
    %cond3A_130 = arith.cmpi ne, %convert_element_type3A_128, %cond3A_129 : i32
    scf.if %cond3A_130 {
      %get3A_131 = arith.constant 0 : index
      %get3A_132 = arith.constant 0 : index
      %get3A_133 = vector.load %arg29[%get3A_131, %get3A_132] : memref<64x128xf32, #tpu.memory_space<vmem>>, vector<64x128xf32>
      %get3A_134 = arith.constant 0 : index
      %get3A_135 = arith.constant 0 : index
      %get3A_136 = vector.load %arg28[%get3A_134, %get3A_135] : memref<64x1xf32, #tpu.memory_space<vmem>>, vector<64x1xf32>
      %div3A = vector.broadcast %get3A_136 : vector<64x1xf32> to vector<64x128xf32>
      %div3A_137 = arith.divf %get3A_133, %div3A : vector<64x128xf32>
      %get3A_138 = arith.constant 0 : index
      %get3A_139 = arith.constant 0 : index
      %get3A_140 = vector.load %arg24[%get3A_138, %get3A_139] : memref<64x128xf32, #tpu.memory_space<vmem>>, vector<64x128xf32>
      %get3A_141 = arith.constant 0 : index
      %get3A_142 = arith.constant 0 : index
      %get3A_143 = vector.load %arg25[%get3A_141, %get3A_142] : memref<64x128xf32, #tpu.memory_space<vmem>>, vector<64x128xf32>
      %concatenate3A = tpu.concatenate %get3A_140, %div3A_137, %get3A_143 in 1 : vector<64x128xf32>, vector<64x128xf32>, vector<64x128xf32> -> vector<64x384xf32>
      %get3A_144 = arith.constant 0 : index
      %get3A_145 = arith.constant 0 : index
      %get3A_146 = vector.load %arg15[%get3A_144, %get3A_145] : memref<384x512xf32, #tpu.memory_space<vmem>>, vector<384x512xf32>
      %dot_general3A_147 = arith.constant dense<0.000000e+00> : vector<64x512xf32>
      %dot_general3A_148 = tpu.matmul %concatenate3A, %get3A_146, %dot_general3A_147 {dimension_numbers = #tpu.dot_dimension_numbers<[1], [0], [0], [1], [0, 0, 1, 1], [], []>, transpose_lhs_hint = false} : vector<64x384xf32>, vector<384x512xf32>, vector<64x512xf32> -> vector<64x512xf32>
      %get3A_149 = arith.constant 0 : index
      %get3A_150 = arith.constant 0 : index
      %get3A_151 = vector.load %arg16[%get3A_149, %get3A_150] : memref<1x512xf32, #tpu.memory_space<vmem>>, vector<1x512xf32>
      %add3A_152 = vector.broadcast %get3A_151 : vector<1x512xf32> to vector<64x512xf32>
      %add3A_153 = arith.addf %dot_general3A_148, %add3A_152 : vector<64x512xf32>
      %max3A_154 = arith.constant 0.000000e+00 : f32
      %max3A_155 = vector.broadcast %max3A_154 : f32 to vector<64x512xf32>
      %max3A_156 = arith.maximumf %add3A_153, %max3A_155 : vector<64x512xf32>
      %get3A_157 = arith.constant 0 : index
      %get3A_158 = arith.constant 0 : index
      %get3A_159 = vector.load %arg17[%get3A_157, %get3A_158] : memref<512x256xf32, #tpu.memory_space<vmem>>, vector<512x256xf32>
      %dot_general3A_160 = arith.constant dense<0.000000e+00> : vector<64x256xf32>
      %dot_general3A_161 = tpu.matmul %max3A_156, %get3A_159, %dot_general3A_160 {dimension_numbers = #tpu.dot_dimension_numbers<[1], [0], [0], [1], [0, 0, 1, 1], [], []>, transpose_lhs_hint = false} : vector<64x512xf32>, vector<512x256xf32>, vector<64x256xf32> -> vector<64x256xf32>
      %get3A_162 = arith.constant 0 : index
      %get3A_163 = arith.constant 0 : index
      %get3A_164 = vector.load %arg18[%get3A_162, %get3A_163] : memref<1x256xf32, #tpu.memory_space<vmem>>, vector<1x256xf32>
      %add3A_165 = vector.broadcast %get3A_164 : vector<1x256xf32> to vector<64x256xf32>
      %add3A_166 = arith.addf %dot_general3A_161, %add3A_165 : vector<64x256xf32>
      %max3A_167 = arith.constant 0.000000e+00 : f32
      %max3A_168 = vector.broadcast %max3A_167 : f32 to vector<64x256xf32>
      %max3A_169 = arith.maximumf %add3A_166, %max3A_168 : vector<64x256xf32>
      %get3A_170 = arith.constant 0 : index
      %get3A_171 = arith.constant 0 : index
      %get3A_172 = vector.load %arg19[%get3A_170, %get3A_171] : memref<256x128xf32, #tpu.memory_space<vmem>>, vector<256x128xf32>
      %dot_general3A_173 = arith.constant dense<0.000000e+00> : vector<64x128xf32>
      %dot_general3A_174 = tpu.matmul %max3A_169, %get3A_172, %dot_general3A_173 {dimension_numbers = #tpu.dot_dimension_numbers<[1], [0], [0], [1], [0, 0, 1, 1], [], []>, transpose_lhs_hint = false} : vector<64x256xf32>, vector<256x128xf32>, vector<64x128xf32> -> vector<64x128xf32>
      %get3A_175 = arith.constant 0 : index
      %get3A_176 = arith.constant 0 : index
      %get3A_177 = vector.load %arg20[%get3A_175, %get3A_176] : memref<1x128xf32, #tpu.memory_space<vmem>>, vector<1x128xf32>
      %add3A_178 = vector.broadcast %get3A_177 : vector<1x128xf32> to vector<64x128xf32>
      %add3A_179 = arith.addf %dot_general3A_174, %add3A_178 : vector<64x128xf32>
      %max3A_180 = arith.constant 0.000000e+00 : f32
      %max3A_181 = vector.broadcast %max3A_180 : f32 to vector<64x128xf32>
      %max3A_182 = arith.maximumf %add3A_179, %max3A_181 : vector<64x128xf32>
      %get3A_183 = arith.constant 0 : index
      %get3A_184 = arith.constant 0 : index
      %get3A_185 = vector.load %arg21[%get3A_183, %get3A_184] : memref<128x1xf32, #tpu.memory_space<vmem>>, vector<128x1xf32>
      %dot_general3A_186 = arith.constant dense<0.000000e+00> : vector<64x1xf32>
      %dot_general3A_187 = tpu.matmul %max3A_182, %get3A_185, %dot_general3A_186 {dimension_numbers = #tpu.dot_dimension_numbers<[1], [0], [0], [1], [0, 0, 1, 1], [], []>, transpose_lhs_hint = false} : vector<64x128xf32>, vector<128x1xf32>, vector<64x1xf32> -> vector<64x1xf32>
      %get3A_188 = arith.constant 0 : index
      %get3A_189 = arith.constant 0 : index
      %get3A_190 = vector.load %arg22[%get3A_188, %get3A_189] : memref<1x1xf32, #tpu.memory_space<vmem>>, vector<1x1xf32>
      %add3A_191 = vector.broadcast %get3A_190 : vector<1x1xf32> to vector<64x1xf32>
      %add3A_192 = arith.addf %dot_general3A_187, %add3A_191 : vector<64x1xf32>
      %logistic3A = arith.negf %add3A_192 : vector<64x1xf32>
      %logistic3A_193 = math.exp %logistic3A : vector<64x1xf32>
      %logistic3A_194 = arith.constant 1.000000e+00 : f32
      %logistic3A_195 = vector.broadcast %logistic3A_194 : f32 to vector<64x1xf32>
      %logistic3A_196 = arith.addf %logistic3A_195, %logistic3A_193 : vector<64x1xf32>
      %logistic3A_197 = arith.divf %logistic3A_195, %logistic3A_196 : vector<64x1xf32>
      %swap3A_198 = arith.constant 0 : index
      %swap3A_199 = arith.constant 0 : index
      %swap3A_200 = vector.load %arg23[%swap3A_198, %swap3A_199] : memref<64x1xf32, #tpu.memory_space<vmem>>, vector<64x1xf32>
      tpu.vector_store %arg23[%swap3A_198, %swap3A_199], %logistic3A_197 {strides = array<i32>} : memref<64x1xf32, #tpu.memory_space<vmem>>, vector<64x1xf32>,
    } else {
    }
    return
  }
  func.func @transform_0(%arg0: i32, %arg1: i32) -> (i32, i32, i32) {
    %c0_i32 = arith.constant 0 : i32
    %c0_i32_0 = arith.constant 0 : i32
    %c0_i32_1 = arith.constant 0 : i32
    return %arg0, %c0_i32, %c0_i32_0 : i32, i32, i32
  }
  func.func @transform_1(%arg0: i32, %arg1: i32) -> (i32, i32, i32) {
    %c0_i32 = arith.constant 0 : i32
    %c0_i32_0 = arith.constant 0 : i32
    %c0_i32_1 = arith.constant 0 : i32
    return %arg0, %c0_i32, %c0_i32_0 : i32, i32, i32
  }
  func.func @transform_2(%arg0: i32, %arg1: i32) -> (i32, i32, i32, i32) {
    %c0_i32 = arith.constant 0 : i32
    %c0_i32_0 = arith.constant 0 : i32
    %c0_i32_1 = arith.constant 0 : i32
    return %arg0, %arg1, %c0_i32, %c0_i32_0 : i32, i32, i32, i32
  }
  func.func @transform_3(%arg0: i32, %arg1: i32) -> (i32, i32) {
    %c0_i32 = arith.constant 0 : i32
    %c0_i32_0 = arith.constant 0 : i32
    return %arg0, %c0_i32 : i32, i32
  }
  func.func @transform_4(%arg0: i32, %arg1: i32) -> (i32, i32) {
    %c0_i32 = arith.constant 0 : i32
    %c0_i32_0 = arith.constant 0 : i32
    %c0_i32_1 = arith.constant 0 : i32
    return %c0_i32, %c0_i32_0 : i32, i32
  }
  func.func @transform_5(%arg0: i32, %arg1: i32) -> (i32, i32) {
    %c0_i32 = arith.constant 0 : i32
    %c0_i32_0 = arith.constant 0 : i32
    %c0_i32_1 = arith.constant 0 : i32
    return %c0_i32, %c0_i32_0 : i32, i32
  }
  func.func @transform_6(%arg0: i32, %arg1: i32) -> (i32, i32) {
    %c0_i32 = arith.constant 0 : i32
    %c0_i32_0 = arith.constant 0 : i32
    %c0_i32_1 = arith.constant 0 : i32
    return %c0_i32, %c0_i32_0 : i32, i32
  }
  func.func @transform_7(%arg0: i32, %arg1: i32) -> (i32, i32) {
    %c0_i32 = arith.constant 0 : i32
    %c0_i32_0 = arith.constant 0 : i32
    %c0_i32_1 = arith.constant 0 : i32
    return %c0_i32, %c0_i32_0 : i32, i32
  }
  func.func @transform_8(%arg0: i32, %arg1: i32) -> (i32, i32) {
    %c0_i32 = arith.constant 0 : i32
    %c0_i32_0 = arith.constant 0 : i32
    %c0_i32_1 = arith.constant 0 : i32
    return %c0_i32, %c0_i32_0 : i32, i32
  }
  func.func @transform_9(%arg0: i32, %arg1: i32) -> (i32, i32) {
    %c0_i32 = arith.constant 0 : i32
    %c0_i32_0 = arith.constant 0 : i32
    %c0_i32_1 = arith.constant 0 : i32
    return %c0_i32, %c0_i32_0 : i32, i32
  }
  func.func @transform_10(%arg0: i32, %arg1: i32) -> (i32, i32) {
    %c0_i32 = arith.constant 0 : i32
    %c0_i32_0 = arith.constant 0 : i32
    %c0_i32_1 = arith.constant 0 : i32
    return %c0_i32, %c0_i32_0 : i32, i32
  }
  func.func @transform_11(%arg0: i32, %arg1: i32) -> (i32, i32) {
    %c0_i32 = arith.constant 0 : i32
    %c0_i32_0 = arith.constant 0 : i32
    %c0_i32_1 = arith.constant 0 : i32
    return %c0_i32, %c0_i32_0 : i32, i32
  }
  func.func @transform_12(%arg0: i32, %arg1: i32) -> (i32, i32) {
    %c0_i32 = arith.constant 0 : i32
    %c0_i32_0 = arith.constant 0 : i32
    %c0_i32_1 = arith.constant 0 : i32
    return %c0_i32, %c0_i32_0 : i32, i32
  }
  func.func @transform_13(%arg0: i32, %arg1: i32) -> (i32, i32) {
    %c0_i32 = arith.constant 0 : i32
    %c0_i32_0 = arith.constant 0 : i32
    %c0_i32_1 = arith.constant 0 : i32
    return %c0_i32, %c0_i32_0 : i32, i32
  }
  func.func @transform_14(%arg0: i32, %arg1: i32) -> (i32, i32) {
    %c0_i32 = arith.constant 0 : i32
    %c0_i32_0 = arith.constant 0 : i32
    %c0_i32_1 = arith.constant 0 : i32
    return %c0_i32, %c0_i32_0 : i32, i32
  }
  func.func @transform_15(%arg0: i32, %arg1: i32) -> (i32, i32) {
    %c0_i32 = arith.constant 0 : i32
    %c0_i32_0 = arith.constant 0 : i32
    %c0_i32_1 = arith.constant 0 : i32
    return %c0_i32, %c0_i32_0 : i32, i32
  }
  func.func @transform_16(%arg0: i32, %arg1: i32) -> (i32, i32) {
    %c0_i32 = arith.constant 0 : i32
    %c0_i32_0 = arith.constant 0 : i32
    %c0_i32_1 = arith.constant 0 : i32
    return %c0_i32, %c0_i32_0 : i32, i32
  }
  func.func @transform_17(%arg0: i32, %arg1: i32) -> (i32, i32) {
    %c0_i32 = arith.constant 0 : i32
    %c0_i32_0 = arith.constant 0 : i32
    %c0_i32_1 = arith.constant 0 : i32
    return %c0_i32, %c0_i32_0 : i32, i32
  }
  func.func @transform_18(%arg0: i32, %arg1: i32) -> (i32, i32) {
    %c0_i32 = arith.constant 0 : i32
    %c0_i32_0 = arith.constant 0 : i32
    %c0_i32_1 = arith.constant 0 : i32
    return %c0_i32, %c0_i32_0 : i32, i32
  }
  func.func @transform_19(%arg0: i32, %arg1: i32) -> (i32, i32) {
    %c0_i32 = arith.constant 0 : i32
    %c0_i32_0 = arith.constant 0 : i32
    %c0_i32_1 = arith.constant 0 : i32
    return %c0_i32, %c0_i32_0 : i32, i32
  }
  func.func @transform_20(%arg0: i32, %arg1: i32) -> (i32, i32) {
    %c0_i32 = arith.constant 0 : i32
    %c0_i32_0 = arith.constant 0 : i32
    %c0_i32_1 = arith.constant 0 : i32
    return %c0_i32, %c0_i32_0 : i32, i32
  }
  func.func @transform_21(%arg0: i32, %arg1: i32) -> (i32, i32) {
    %c0_i32 = arith.constant 0 : i32
    %c0_i32_0 = arith.constant 0 : i32
    return %arg0, %c0_i32 : i32, i32
  }
}

</mosaic_0001>

<sc_bundles>
// kernel: gather_offload_async_start
scs
__scs_entry_jumppad:
0x0: {  	(pc) =	sbr.rel $0x88, $3  }
0x1: {  	(tag) =	ssettag $0x0;
	lr =	simm.s32 $0x1  }
0x2: {  	[smem:$0x3F89] =	sst lr;
	_ =	strace $0xD0000000  }
0x3: {  	_ = 	snop  }
0x4: {  	_ = 	snop  }
0x5: {  	_ = 	snop  }
0x6: {  	_ = 	snop  }
0x7: {  	_ = 	snop  }
__scs_overlays_trampoline_lowered:
0x8: {  	[smem:$0x3F98] =	sst s0  }
0x9: {  	[smem:$0x3F99] =	sst s1  }
0xa: {  	[smem:$0x3F9A] =	sst s2  }
0xb: {  	[smem:$0x3F9B] =	sst s3  }
0xc: {  	[smem:$0x3F9C] =	sst s4  }
0xd: {  	[smem:$0x3F9D] =	sst s5  }
0xe: {  	[smem:$0x3F9E] =	sst s6  }
0xf: {  	[smem:$0x3F9F] =	sst s7  }
0x10: {  	[smem:$0x3FA0] =	sst s8  }
0x11: {  	[smem:$0x3FA1] =	sst s9;
	s0 =	simm.s32 @!p0 $0x0  }
0x12: {  	s1 =	sld [smem:$0x3F87];
	s0 =	simm.s32 @p0 $0x1  }
0x13: {  	[smem:$0x3FA2] =	sst s0;
	s0 =	simm.s32 @!p1 $0x0  }
0x14: {  	s2 =	sld [smem:$0x3F86];
	s0 =	simm.s32 @p1 $0x1  }
0x15: {  	[smem:$0x3FA3] =	sst s0;
	s0 =	simm.s32 @!p2 $0x0  }
0x16: {  	s3 =	sld [smem:$0x3FDB];
	s0 =	simm.s32 @p2 $0x1  }
0x17: {  	s4 =	simm.s32 $0x1BF5;
	[smem:$0x3FA5] =	sst s0  }
0x18: {  	s0 =	sld [smem:$0x3F88];
	_ =	swait.ge [sflag:s4], $0x0  }
0x19: {  	s7 =	sld [smem:$0x3F89]  }
0x1a: {  	s8 =	sadd.s32 $0xFFFFE003, lr  }
0x1b: {  	s9 =	sadd.s32 $0xFFFFFEF7, lr;
	s5 =	simm.s32 $0xFFFFFFFF;
	p2 =	slt.u32 s8, $0xFFFFF086  }
0x1c: {  	p1 =	slt.u32 s9, $0xF7A;
	s5 =	simm.s32 @!p2 $0x0  }
0x1d: {  	s5 =	simm.s32 @p1 $0x1;
	p0 =	seq.s32 s7, s2  }
0x1e: {  	s7 =	smul.u32 @!p0 $0xF7A, s2;
	p2 =	seq.s32 @!p0 s5, $0x0  }
0x1f: {  	s9 =	smul.u32 $0xF7A, s1;
	s8 =	simm.s32 @!p0 $0x1BF5;
	p2 =	por !p2, p0  }
0x20: {  	[sflag:s8] =	ssyncset.s32 @!p0 $0xFFFFF086;
	s6 =	sadd.s32 @!p0 s3, s7;
	s7 =	simm.s32 @!p0 $0x108  }
0x21: {  	s3 =	sadd.s32 s3, s9;
	s6 =	sadd.s32 @!p0 $0x88, s6;
	s7 =	simm.s32 @p2 $0x1082  }
0x22: {  	[simem:s7], [sflag:s8] =	dma.local @!p0 [hbm:s6], $0xF7A  }
0x23: {  	s9 =	sor.u32 $0xD0000000, s2;
	s6 =	simm.s32 $0x108;
	_ =	swait.ge @!p0 [sflag:s8], $0x0  }
0x24: {  	s3 =	sadd.s32 $0x88, s3;
	s6 =	simm.s32 @!p1 $0x1082;
	[sflag:s4] =	ssyncset.s32 $0xFFFFF086  }
0x25: {  	[simem:s6], [sflag:s4] =	dma.local [hbm:s3], $0xF7A  }
0x26: {  	[smem:$0x3F89] =	sst s1;
	(tag) =	ssettag s2;
	_ =	strace s9  }
0x27: {  	s1 =	sld [smem:$0x3F99]  }
0x28: {  	s2 =	sld [smem:$0x3F9A]  }
0x29: {  	s4 =	sld [smem:$0x3F9C]  }
0x2a: {  	p0 =	seq.s32 s5, $0x0;
	s5 =	sld [smem:$0x3F9D]  }
0x2b: {  	s6 =	sld [smem:$0x3F9E]  }
0x2c: {  	s7 =	sld [smem:$0x3F9F]  }
0x2d: {  	s3 =	simm.s32 $0x108;
	s8 =	sld [smem:$0x3FA0]  }
0x2e: {  	s3 =	simm.s32 @!p0 $0x1082;
	s9 =	sld [smem:$0x3FA1]  }
0x2f: {  	lr =	sadd.s32 s0, s3;
	s0 =	sld [smem:$0x3F98]  }
0x30: {  	s3 =	sld [smem:$0x3F9B]  }
0x31: {  	[smem:$0x3FA4] =	sst s10  }
0x32: {  	s10 =	sld [smem:$0x3FA2];
	_ =	sdelay $0x3  }
0x33: {  	p0 =	seq.s32 s10, $0x1;
	s10 =	sld [smem:$0x3FA4];
	_ =	sdelay $0x3  }
0x34: {  	[smem:$0x3FA4] =	sst s10  }
0x35: {  	s10 =	sld [smem:$0x3FA3];
	_ =	sdelay $0x3  }
0x36: {  	p1 =	seq.s32 s10, $0x1;
	s10 =	sld [smem:$0x3FA4];
	_ =	sdelay $0x3  }
0x37: {  	[smem:$0x3FA4] =	sst s10  }
0x38: {  	s10 =	sld [smem:$0x3FA5]  }
0x39: {  	_ = 	snop;
	(pc) =	sbr.ind lr, $3  }
0x3a: {  	_ = 	snop  }
0x3b: {  	_ = 	snop  }
0x3c: {  	p2 =	seq.s32 s10, $0x1;
	s10 =	sld [smem:$0x3FA4]  }
0x3d: {  	_ =	shalt  }
0x3e: {  	_ =	shalt  }
0x3f: {  	_ =	shalt  }
0x40: {  	_ =	shalt  }
0x41: {  	_ =	shalt  }
0x42: {  	_ =	shalt  }
0x43: {  	_ =	shalt  }
0x44: {  	_ =	shalt  }
0x45: {  	_ =	shalt  }
0x46: {  	_ =	shalt  }
0x47: {  	_ =	shalt  }
0x48: {  	_ =	shalt  }
0x49: {  	_ =	shalt  }
0x4a: {  	_ =	shalt  }
0x4b: {  	_ =	shalt  }
0x4c: {  	_ =	shalt  }
0x4d: {  	_ =	shalt  }
0x4e: {  	_ =	shalt  }
0x4f: {  	_ =	shalt  }
0x50: {  	_ =	shalt  }
0x51: {  	_ =	shalt  }
0x52: {  	_ =	shalt  }
0x53: {  	_ =	shalt  }
0x54: {  	_ =	shalt  }
0x55: {  	_ =	shalt  }
0x56: {  	_ =	shalt  }
0x57: {  	_ =	shalt  }
0x58: {  	_ =	shalt  }
0x59: {  	_ =	shalt  }
0x5a: {  	_ =	shalt  }
0x5b: {  	_ =	shalt  }
0x5c: {  	_ =	shalt  }
0x5d: {  	_ =	shalt  }
0x5e: {  	_ =	shalt  }
0x5f: {  	_ =	shalt  }
0x60: {  	_ =	shalt  }
0x61: {  	_ =	shalt  }
0x62: {  	_ =	shalt  }
0x63: {  	_ =	shalt  }
0x64: {  	_ =	shalt  }
0x65: {  	_ =	shalt  }
0x66: {  	_ =	shalt  }
0x67: {  	_ =	shalt  }
0x68: {  	_ =	shalt  }
0x69: {  	_ =	shalt  }
0x6a: {  	_ =	shalt  }
0x6b: {  	_ =	shalt  }
0x6c: {  	_ =	shalt  }
0x6d: {  	_ =	shalt  }
0x6e: {  	_ =	shalt  }
0x6f: {  	_ =	shalt  }
0x70: {  	_ =	shalt  }
0x71: {  	_ =	shalt  }
0x72: {  	_ =	shalt  }
0x73: {  	_ =	shalt  }
0x74: {  	_ =	shalt  }
0x75: {  	_ =	shalt  }
0x76: {  	_ =	shalt  }
0x77: {  	_ =	shalt  }
0x78: {  	_ =	shalt  }
0x79: {  	_ =	shalt  }
0x7a: {  	_ =	shalt  }
0x7b: {  	_ =	shalt  }
0x7c: {  	_ =	shalt  }
0x7d: {  	_ =	shalt  }
0x7e: {  	_ =	shalt  }
0x7f: {  	_ =	shalt  }
0x80: {  	_ =	shalt  }
0x81: {  	_ =	shalt  }
0x82: {  	_ =	shalt  }
0x83: {  	_ =	shalt  }
0x84: {  	_ =	shalt  }
0x85: {  	_ =	shalt  }
0x86: {  	_ =	shalt  }
0x87: {  	_ =	shalt  }
.Lfunc_end0:
.L_simem_size_0:
called_computation_lowered:
.L_overlay_start_0:
0x88: {  	s2 =	sld [smem:$0x3FD9]  }
0x89: {  	s3 =	sld [smem:$0x3FFE];
	_ =	sdelay $0x1  }
0x8a: {  	s1 =	srdreg.scid  }
0x8b: {  	s0 =	sand.u32 $0x1, s1  }
0x8c: {  	s16 =	sshll.u32 s0, $0xA;
	s2 =	sadd.s32 s3, s2  }
0x8d: {  	s2 =	sadd.s32 s2, s16  }
0x8e: {  	[smem:$0x3FB0] =	sst s2  }
0x8f: {  	_ = 	snop  }
0x90: {  	(tm) =	ssettm $0x1  }
0x91: {  	s17 =	sld [smem:$0x3FFB];
	_ =	sdelay $0x3  }
0x92: {  	_ =	strace s17  }
0x93: {  	s2 =	sld [smem:$0x3FFC];
	_ =	sdelay $0x3  }
0x94: {  	_ =	strace s2  }
0x95: {  	s2 =	sld [smem:$0x3FFD];
	_ =	sdelay $0x3  }
0x96: {  	_ =	strace s2  }
0x97: {  	_ =	strace $0x8FFFFFFF  }
0x98: {  	s18 =	sld [smem:$0x3FDB];
	_ =	sdelay $0x1  }
0x99: {  	s19 =	simm.s32 $_scs_section_size  }
0x9a: {  	s4 =	simm.s32 $_size__tile_overlayer_lowered;
	s5 =	simm.s32 $_tile_overlayer_lowered  }
0x9b: {  	s22 =	simm.s32 $0x1BFF;
	s21 =	sshll.u32 s5, $0x1;
	s2 =	sadd.s32 s19, s18  }
0x9c: {  	s6 =	simm.s32 $0x0;
	s20 =	sshll.u32 s4, $0x1;
	s4 =	sadd.s32 s21, s2  }
0x9d: {  	[timem:s6], [sflag:s22] =	dma.local [hbm:s4], s20  }
0x9e: {  	_ =	swait.ge [sflag:s22], s20  }
0x9f: {  	s3 =	ssub.s32 $0x0, s20;
	[sflag:s22] =	ssyncset.done $0x0  }
0xa0: {  	[sflag:s22] =	ssyncadd.s32 s3;
	_ =	sdelay $0x1  }
0xa1: {  	s23 =	simm.s32 $0x1B8B  }
0xa2: {  	_ =	swait.ge [sflag:s23], $0x1  }
0xa3: {  	[sflag:s23] =	ssyncset.done $0x0  }
0xa4: {  	s25 =	simm.s32 $0x1B8E;
	s24 =	sld [smem:$0x3FFE];
	[sflag:s23] =	ssyncadd.s32 $0xFFFFFFFF  }
0xa5: {  	s26 =	simm.s32 $execute0_lowered;
	[smem:$0x3FD2] =	sst s25  }
0xa6: {  	s4 =	sshll.u32 s26, $0x1;
	_ =	strace $0x80000046;
	[dreg:$0x1] =	wrdreg $0xFFFFFFFF  }
0xa7: {  	s28 =	simm.s32 $_size_execute0_lowered;
	s2 =	sadd.s32 s2, s4;
	[dreg:$0x0] =	wrdreg $0x0  }
0xa8: {  	s4 =	sshll.u32 s28, $0x1;
	[dreg:$0x2] =	wrdreg s2  }
0xa9: {  	[dreg:$0x3] =	wrdreg s4  }
0xaa: {  	[dreg:$0x4] =	wrdreg $0xC0  }
0xab: {  	_ =	task [dreg:s6], $0x5FFFF  }
0xac: {  	[dreg:$0x1] =	wrdreg $0xFFFFFFFF  }
0xad: {  	[dreg:$0x0] =	wrdreg $0x60  }
0xae: {  	[dreg:$0x2] =	wrdreg s24  }
0xaf: {  	[dreg:$0x3] =	wrdreg $0x9  }
0xb0: {  	_ =	task.clear_ibuf [dreg:s6], $0x4FFFF;
	_ =	strace $0x90000046  }
0xb1: {  	s29 =	simm.s32 $0x9;
	_ =	strace $0x80000048  }
0xb2: {  	_ =	swait.ge [sflag:s29], $0x1  }
0xb3: {  	[sflag:s29] =	ssyncadd.s32 $0xFFFFFFFF  }
0xb4: {  	_ =	strace $0x90000048  }
0xb5: {  	_ =	sfence  }
0xb6: {  	s30 =	sld [smem:$0x0];
	_ =	sdelay $0x2  }
0xb7: {  	s31 =	sshll.u32 s1, $0xD;
	s1 =	sshrl.u32 s1, $0x2  }
0xb8: {  	s3 =	sand.u32 $0x4000, s31;
	s1 =	sadd.s32 s1, s30  }
0xb9: {  	s0 =	sor.u32 s3, s0;
	s1 =	sshll.u32 s1, $0x11  }
0xba: {  	s0 =	sor.u32 s1, s0  }
0xbb: {  	s0 =	sadd.s32 $0x8F2B, s0  }
0xbc: {  	[sflag:s0] =	ssyncadd.remote.s32 $0x1  }
0xbd: {  	_ =	sfence.sel $0xFFFF  }
0xbe: {  	[dreg:$0x0] =	wrdreg $0xFFFFFFFF;
	(pc) =	sbr.abs _section_cstart, $3  }
0xbf: {  	[dreg:$0x1] =	wrdreg $0xFFFFFFFF  }
0xc0: {  	_ =	task.clear_ibuf [dreg:s6], $0x2FFFF;
	_ =	strace $0x9FFFFFFF  }
0xc1: {  	(tm) =	ssettm $0x7FFFFFFF  }
tec
execute0_lowered:
.L_overlay_start_1:
0x0: {  	(tag) =	ssettag $0x1  }
0x1: {  	s0 =	srdreg.scid;
	s5 =	rddreg [dreg:$0x0]  }
0x2: {  	s1 =	stileid.u32;
	s6 =	simm.s32 $0x1;
	s9 =	simm.s32 $0x1  }
0x3: {  	s10 =	simm.s32 $0x3;
	s13 =	simm.s32 $0x0;
	s2 =	sshll.u32 s0, $0x7  }
0x4: {  	s12 =	simm.s32 $0x0;
	s3 =	sshll.u32 s1, $0x8;
	s2 =	sand.u32 $0x80, s2  }
0x5: {  	s0 =	rddreg [dreg:$0x1];
	_ =	strace $0x80000047;
	s2 =	sor.u32 s3, s2  }
0x6: {  	s4 =	sadd.s32 $0x3400, s5;
	[sflag:s6] =	ssyncpa.u1 $0x0;
	s8 =	ssub.s32 $0x1C00, s2  }
.Ltmp0:
0x7: {  	s3 =	sadd.s32 $0x3800, s5;
	s7 =	sand.u32 $0xF80, s8;
	(pc) =	sbr.rel .LBB2_1-.Ltmp0, $4  }
0x8: {  	s5 =	sadd.s32 $0x311800, s5;
	s11 =	smov.u32 s2;
	p0 =	sne.s32 s7, $0x0  }
0x9: {  	s8 =	sshrl.u32 s8, $0xC;
	s7 =	simm.s32 $0x2;
	s9 =	simm.s32 @!p0 $0x0  }
0xa: {  	[sflag:s7] =	ssyncpa.u1 $0x0;
	p0 =	por $0x0, $0x0;
	s8 =	sadd.s32 s9, s8  }
0xb: {  	vm0 =	vmmov $0xffff;
	[sflag:s10] =	ssyncpa.u1 $0x0;
	s10 =	simm.s32 $0x0;
	s9 =	sadd.s32 $0x1, s8  }
.LBB2_4:
0xc: {  	vm1 =	veq.s32 v0, $0x80000000;
	v63 =	vand.u32 $0x1F, v0;
	v2 =	vand.u32 $0xFF, v2  }
0xd: {  	v0 =	vsel vm1, $0xFFFFFFFF, v63;
	v2 =	vsel vm1, $0xFFFFFFFF, v2  }
0xe: {  	v3 =	vshll.u32 v0, $0x8;
	v4 =	vshll.u32 v2, $0x3  }
0xf: {  	v0 =	vshll.u32 v0, $0x7;
	v3 =	vand.u32 $0xFFFFF800, v3;
	v4 =	vand.u32 $0xFFFFFC00, v4  }
0x10: {  	v0 =	vand.u32 $0x380, v0;
	v3 =	vadd.s32 v3, v4  }
0x11: {  	v2 =	vand.u32 $0x7F, v2;
	v0 =	vor.u32 v0, v3  }
0x12: {  	v0 =	vor.u32 v2, v0;
	_ =	sdelay $0x1  }
0x13: {  	(ifvalue) =	ssetifvalue $0x7FFFFFFF;
	s14 =	sadd.s32 $0x10, s14  }
0x14: {  	[tilespmem:s14], [sflag:$0x1] =	stream.indirect_vreg.gather [hbm4b:s3+s10], $0x1, v1, vm0, $0x4038;
	[tilespmem:$0x200] =	vst v63  }
0x15: {  	(ifvalue) =	ssetifvalue $0x7FFFFFFF;
	s14 =	sadd.s32 $0x10, s14  }
0x16: {  	[tilespmem:s14], [sflag:$0x1] =	stream.indirect_vreg.gather [hbm4b:s3+s10], $0x1, v0, vm0, $0x4038;
	[tilespmem:$0x200] =	vst v63  }
0x17: {  	_ =	swait.ge [sflag:s6], $0x80  }
0x18: {  	s30 =	sshrl.u32 s13, $0x3;
	[sflag:s6] =	ssyncset.done $0x0  }
0x19: {  	s31 =	sand.u32 $0x7, s13;
	s14 =	sadd.s32 s5, s30;
	[sflag:s6] =	ssyncadd.s32 $0xFFFFFF80  }
0x1a: {  	[hbm4b:s14+s31] =	stream.linear.scatter [tilespmem:s15], [sflag:$0x3], $0x80, $0x38;
	[tilespmem:$0x200] =	vst v63  }
.LBB2_5:
0x1b: {  	s15 =	sadd.s32 $0x1000, s11  }
0x1c: {  	p2 =	sgt.s32 s15, $0x1BFF  }
0x1d: {  	s15 =	smov.u32 @p2 s2;
	p2 =	sne.s32 s12, s9  }
.Ltmp1:
0x1e: {  	p1 =	slt.u32 s12, $0x2;
	(pc) =	sbr.rel @!p2 .LBB2_6-.Ltmp1, $4  }
0x1f: {  	s14 =	simm.s32 @!p1 $0x3  }
0x20: {  	s16 =	sadd.s32 $0x1, s12;
	_ =	swait.ge @!p1 [sflag:s14], $0x80  }
0x21: {  	s13 =	smov.u32 s11;
	p0 =	por !p0, !p0;
	[sflag:s14] =	ssyncset.done @!p1 $0x0  }
0x22: {  	s12 =	smov.u32 s16;
	s11 =	smov.u32 s15;
	[sflag:s14] =	ssyncadd.s32 @!p1 $0xFFFFFF80  }
.LBB2_1:
0x23: {  	p1 =	sge.u32 s12, s8  }
0x24: {  	s14 =	sxor.u32 @!p1 $0xFFFFFFFF, s12  }
0x25: {  	s31 =	sadd.s32 $0xFFFFFFFF, s12;
	s15 =	sshrl.u32 @!p1 s11, $0x3;
	s14 =	sshll.u32 @!p1 s14, $0x7  }
0x26: {  	s16 =	sand.u32 @!p1 $0x7, s11;
	s15 =	sadd.s32 @!p1 s4, s15;
	s14 =	sand.u32 @!p1 $0x80, s14  }
0x27: {  	[tilespmem:s14], [sflag:$0x2] =	stream.linear.gather @!p1 [hbm4b:s15+s16], $0x80, $0x38;
	[tilespmem:$0x200] =	vst v63  }
0x28: {  	p1 =	sge.u32 s31, s8  }
.Ltmp2:
0x29: {  	_ = 	snop;
	(pc) =	sbr.rel @p1 .LBB2_5-.Ltmp2, $1  }
0x2a: {  	_ =	sdelay $0x3  }
0x2b: {  	s14 =	simm.s32 $0x1  }
0x2c: {  	_ =	swait.ge [sflag:s7], $0x80;
	s14 =	simm.s32 @!p0 $0x0  }
0x2d: {  	[sflag:s7] =	ssyncset.done $0x0;
	s14 =	sshll.u32 s14, $0x7  }
0x2e: {  	[sflag:s7] =	ssyncadd.s32 $0xFFFFFF80;
	(ifvalue) =	ssetifvalue $0x7FFFFFFF;
	v0 =	vld.msk [tilespmem:s14+$0x0 ss:$0x1], $0xffff;
	_ =	sdelay $0x3  }
0x2f: {  	s15 =	sadd.s32 $0x10, s14  }
0x30: {  	v2 =	vld.msk [tilespmem:s15+$0x0 ss:$0x1], $0xffff;
	v1 =	vshrl.u32 v0, $0x5  }
0x31: {  	vm1 =	veq.s32 v0, $0x80000000;
	v0 =	vand.u32 $0x1F, v0;
	v1 =	vand.u32 $0xFF, v1  }
0x32: {  	v0 =	vsel vm1, $0xFFFFFFFF, v0;
	v1 =	vsel vm1, $0xFFFFFFFF, v1  }
0x33: {  	v3 =	vshll.u32 v0, $0x8;
	v4 =	vshll.u32 v1, $0x3  }
0x34: {  	v0 =	vshll.u32 v0, $0x7;
	v3 =	vand.u32 $0xFFFFF800, v3;
	v4 =	vand.u32 $0xFFFFFC00, v4  }
0x35: {  	vm1 =	veq.s32 v2, $0x80000000;
	v0 =	vand.u32 $0x380, v0;
	v3 =	vadd.s32 v3, v4  }
0x36: {  	v1 =	vand.u32 $0x7F, v1;
	v0 =	vor.u32 v0, v3;
	v3 =	vshrl.u32 v2, $0x5  }
0x37: {  	s17 =	sadd.s32 $0x10, s15;
	v2 =	vand.u32 $0x1F, v2;
	v1 =	vor.u32 v1, v0;
	v3 =	vand.u32 $0xFF, v3  }
0x38: {  	v0 =	vld.msk [tilespmem:s17+$0x0 ss:$0x1], $0xffff;
	v2 =	vsel vm1, $0xFFFFFFFF, v2;
	v3 =	vsel vm1, $0xFFFFFFFF, v3  }
0x39: {  	v63 =	vshll.u32 v2, $0x8;
	v5 =	vshll.u32 v3, $0x3  }
0x3a: {  	s31 =	sshll.u32 s12, $0x7;
	v2 =	vshll.u32 v2, $0x7;
	v4 =	vand.u32 $0xFFFFF800, v63;
	v5 =	vand.u32 $0xFFFFFC00, v5  }
0x3b: {  	s14 =	sor.u32 $0x100, s14;
	s15 =	sand.u32 $0x80, s31;
	(ifvalue) =	ssetifvalue $0x7FFFFFFF;
	v2 =	vand.u32 $0x380, v2;
	v4 =	vadd.s32 v4, v5  }
0x3c: {  	[tilespmem:s14], [sflag:$0x1] =	stream.indirect_vreg.gather [hbm4b:s3+s10], $0x1, v1, vm0, $0x4038;
	v1 =	vand.u32 $0x7F, v3;
	v3 =	vor.u32 v2, v4;
	[tilespmem:$0x200] =	vst v63  }
0x3d: {  	s16 =	simm.s32 $0x20;
	s15 =	sor.u32 $0x100, s15;
	s17 =	sadd.s32 $0x10, s17;
	v2 =	vshrl.u32 v0, $0x5;
	v1 =	vor.u32 v1, v3  }
.LBB2_3:
0x3e: {  	s16 =	sadd.s32 $0x10, s16;
	vm1 =	veq.s32 v0, $0x80000000;
	v3 =	vand.u32 $0x1F, v0;
	v0 =	vld.msk [tilespmem:s17+$0x0 ss:$0x1], $0xffff;
	v2 =	vand.u32 $0xFF, v2  }
0x3f: {  	p1 =	slt.u32 s16, $0x70;
	v3 =	vsel vm1, $0xFFFFFFFF, v3;
	v2 =	vsel vm1, $0xFFFFFFFF, v2  }
.Ltmp3:
0x40: {  	v4 =	vshll.u32 v3, $0x8;
	v5 =	vshll.u32 v2, $0x3;
	(pc) =	sbr.rel @p1 .LBB2_3-.Ltmp3, $4  }
0x41: {  	s14 =	sadd.s32 $0x10, s14;
	v3 =	vshll.u32 v3, $0x7;
	v4 =	vand.u32 $0xFFFFF800, v4;
	v5 =	vand.u32 $0xFFFFFC00, v5;
	(ifvalue) =	ssetifvalue $0x7FFFFFFF  }
0x42: {  	v3 =	vand.u32 $0x380, v3;
	v4 =	vadd.s32 v4, v5;
	[tilespmem:s14], [sflag:$0x1] =	stream.indirect_vreg.gather [hbm4b:s3+s10], $0x1, v1, vm0, $0x4038;
	[tilespmem:$0x200] =	vst v63  }
0x43: {  	v1 =	vand.u32 $0x7F, v2;
	v3 =	vor.u32 v3, v4  }
0x44: {  	s17 =	sadd.s32 $0x10, s17;
	v2 =	vshrl.u32 v0, $0x5;
	v1 =	vor.u32 v1, v3  }
.Ltmp4:
0x45: {  	_ = 	snop;
	(pc) =	sbr.rel .LBB2_4-.Ltmp4, $1  }
0x46: {  	_ =	sdelay $0x3  }
.LBB2_6:
0x47: {  	_ =	sfence.sel $0x180000  }
0x48: {  	s2 =	simm.s32 $0x2;
	[bflag:$0x0] =	sbarrier.arrive $0xFFFF  }
0x49: {  	s30 =	simm.s32 $0x3;
	[sflag:s2] =	ssyncpa.u1 $0x1  }
0x4a: {  	s31 =	simm.s32 $0x1;
	[sflag:s30] =	ssyncpa.u1 $0x1  }
0x4b: {  	[sflag:s31] =	ssyncpa.u1 $0x1  }
0x4c: {  	p0 =	sne.s32 s1, $0x0;
	_ =	strace $0x90000047  }
0x4d: {  	s0 =	sadd.s32 @!p0 $0x100000, s0;
	[bflag:$0x2] =	sbarrier.arrive $0xFFFF  }
0x4e: {  	[sflag:s0] =	ssyncadd.tile.s32 @!p0 $0x1;
	_ =	shalt  }
.Lfunc_end2:
_tile_overlayer_lowered:
.L_overlay_start_2:
0x4f: {  	(tag) =	ssettag $0x2  }
0x50: {  	s0 =	rddreg [dreg:$0x0];
	s2 =	stileid.u32  }
0x51: {  	s1 =	rddreg [dreg:$0x1];
	p0 =	sne.s32 s2, $0x0  }
0x52: {  	s3 =	rddreg [dreg:$0x2];
	[bflag:$0x3] =	sbarrier.arrive $0xFFFF;
	s2 =	simm.s32 @!p0 $0x1C01  }
0x53: {  	[timem:s3], [sflag:s2] =	dma.local @!p0 [hbm:s0], s1  }
0x54: {  	s0 =	simm.s32 @!p0 $0x1  }
0x55: {  	_ =	swait.ge @!p0 [sflag:s0], s1  }
0x56: {  	s1 =	ssub.s32 @!p0 $0x0, s1;
	[sflag:s0] =	ssyncset.done @!p0 $0x0  }
0x57: {  	[sflag:s0] =	ssyncadd.s32 @!p0 s1  }
0x58: {  	[bflag:$0x3] =	sbarrier.arrive $0xFFFF  }
0x59: {  	_ =	shalt  }

// kernel: kernel.4.cloned.1.call-start
scs
__scs_entry_jumppad:
0x0: {  	(pc) =	sbr.rel $0x88, $3  }
0x1: {  	(tag) =	ssettag $0x0;
	lr =	simm.s32 $0x1  }
0x2: {  	[smem:$0x3F89] =	sst lr;
	_ =	strace $0xD0000000  }
0x3: {  	_ = 	snop  }
0x4: {  	_ = 	snop  }
0x5: {  	_ = 	snop  }
0x6: {  	_ = 	snop  }
0x7: {  	_ = 	snop  }
__scs_overlays_trampoline_lowered:
0x8: {  	[smem:$0x3F98] =	sst s0  }
0x9: {  	[smem:$0x3F99] =	sst s1  }
0xa: {  	[smem:$0x3F9A] =	sst s2  }
0xb: {  	[smem:$0x3F9B] =	sst s3  }
0xc: {  	[smem:$0x3F9C] =	sst s4  }
0xd: {  	[smem:$0x3F9D] =	sst s5  }
0xe: {  	[smem:$0x3F9E] =	sst s6  }
0xf: {  	[smem:$0x3F9F] =	sst s7  }
0x10: {  	[smem:$0x3FA0] =	sst s8  }
0x11: {  	[smem:$0x3FA1] =	sst s9;
	s0 =	simm.s32 @!p0 $0x0  }
0x12: {  	s1 =	sld [smem:$0x3F87];
	s0 =	simm.s32 @p0 $0x1  }
0x13: {  	[smem:$0x3FA2] =	sst s0;
	s0 =	simm.s32 @!p1 $0x0  }
0x14: {  	s2 =	sld [smem:$0x3F86];
	s0 =	simm.s32 @p1 $0x1  }
0x15: {  	[smem:$0x3FA3] =	sst s0;
	s0 =	simm.s32 @!p2 $0x0  }
0x16: {  	s3 =	sld [smem:$0x3FDB];
	s0 =	simm.s32 @p2 $0x1  }
0x17: {  	s4 =	simm.s32 $0x1BF5;
	[smem:$0x3FA5] =	sst s0  }
0x18: {  	s0 =	sld [smem:$0x3F88];
	_ =	swait.ge [sflag:s4], $0x0  }
0x19: {  	s7 =	sld [smem:$0x3F89]  }
0x1a: {  	s8 =	sadd.s32 $0xFFFFE003, lr  }
0x1b: {  	s9 =	sadd.s32 $0xFFFFFEF7, lr;
	s5 =	simm.s32 $0xFFFFFFFF;
	p2 =	slt.u32 s8, $0xFFFFF086  }
0x1c: {  	p1 =	slt.u32 s9, $0xF7A;
	s5 =	simm.s32 @!p2 $0x0  }
0x1d: {  	s5 =	simm.s32 @p1 $0x1;
	p0 =	seq.s32 s7, s2  }
0x1e: {  	s7 =	smul.u32 @!p0 $0xF7A, s2;
	p2 =	seq.s32 @!p0 s5, $0x0  }
0x1f: {  	s9 =	smul.u32 $0xF7A, s1;
	s8 =	simm.s32 @!p0 $0x1BF5;
	p2 =	por !p2, p0  }
0x20: {  	[sflag:s8] =	ssyncset.s32 @!p0 $0xFFFFF086;
	s6 =	sadd.s32 @!p0 s3, s7;
	s7 =	simm.s32 @!p0 $0x108  }
0x21: {  	s3 =	sadd.s32 s3, s9;
	s6 =	sadd.s32 @!p0 $0x88, s6;
	s7 =	simm.s32 @p2 $0x1082  }
0x22: {  	[simem:s7], [sflag:s8] =	dma.local @!p0 [hbm:s6], $0xF7A  }
0x23: {  	s9 =	sor.u32 $0xD0000000, s2;
	s6 =	simm.s32 $0x108;
	_ =	swait.ge @!p0 [sflag:s8], $0x0  }
0x24: {  	s3 =	sadd.s32 $0x88, s3;
	s6 =	simm.s32 @!p1 $0x1082;
	[sflag:s4] =	ssyncset.s32 $0xFFFFF086  }
0x25: {  	[simem:s6], [sflag:s4] =	dma.local [hbm:s3], $0xF7A  }
0x26: {  	[smem:$0x3F89] =	sst s1;
	(tag) =	ssettag s2;
	_ =	strace s9  }
0x27: {  	s1 =	sld [smem:$0x3F99]  }
0x28: {  	s2 =	sld [smem:$0x3F9A]  }
0x29: {  	s4 =	sld [smem:$0x3F9C]  }
0x2a: {  	p0 =	seq.s32 s5, $0x0;
	s5 =	sld [smem:$0x3F9D]  }
0x2b: {  	s6 =	sld [smem:$0x3F9E]  }
0x2c: {  	s7 =	sld [smem:$0x3F9F]  }
0x2d: {  	s3 =	simm.s32 $0x108;
	s8 =	sld [smem:$0x3FA0]  }
0x2e: {  	s3 =	simm.s32 @!p0 $0x1082;
	s9 =	sld [smem:$0x3FA1]  }
0x2f: {  	lr =	sadd.s32 s0, s3;
	s0 =	sld [smem:$0x3F98]  }
0x30: {  	s3 =	sld [smem:$0x3F9B]  }
0x31: {  	[smem:$0x3FA4] =	sst s10  }
0x32: {  	s10 =	sld [smem:$0x3FA2];
	_ =	sdelay $0x3  }
0x33: {  	p0 =	seq.s32 s10, $0x1;
	s10 =	sld [smem:$0x3FA4];
	_ =	sdelay $0x3  }
0x34: {  	[smem:$0x3FA4] =	sst s10  }
0x35: {  	s10 =	sld [smem:$0x3FA3];
	_ =	sdelay $0x3  }
0x36: {  	p1 =	seq.s32 s10, $0x1;
	s10 =	sld [smem:$0x3FA4];
	_ =	sdelay $0x3  }
0x37: {  	[smem:$0x3FA4] =	sst s10  }
0x38: {  	s10 =	sld [smem:$0x3FA5]  }
0x39: {  	_ = 	snop;
	(pc) =	sbr.ind lr, $3  }
0x3a: {  	_ = 	snop  }
0x3b: {  	_ = 	snop  }
0x3c: {  	p2 =	seq.s32 s10, $0x1;
	s10 =	sld [smem:$0x3FA4]  }
0x3d: {  	_ =	shalt  }
0x3e: {  	_ =	shalt  }
0x3f: {  	_ =	shalt  }
0x40: {  	_ =	shalt  }
0x41: {  	_ =	shalt  }
0x42: {  	_ =	shalt  }
0x43: {  	_ =	shalt  }
0x44: {  	_ =	shalt  }
0x45: {  	_ =	shalt  }
0x46: {  	_ =	shalt  }
0x47: {  	_ =	shalt  }
0x48: {  	_ =	shalt  }
0x49: {  	_ =	shalt  }
0x4a: {  	_ =	shalt  }
0x4b: {  	_ =	shalt  }
0x4c: {  	_ =	shalt  }
0x4d: {  	_ =	shalt  }
0x4e: {  	_ =	shalt  }
0x4f: {  	_ =	shalt  }
0x50: {  	_ =	shalt  }
0x51: {  	_ =	shalt  }
0x52: {  	_ =	shalt  }
0x53: {  	_ =	shalt  }
0x54: {  	_ =	shalt  }
0x55: {  	_ =	shalt  }
0x56: {  	_ =	shalt  }
0x57: {  	_ =	shalt  }
0x58: {  	_ =	shalt  }
0x59: {  	_ =	shalt  }
0x5a: {  	_ =	shalt  }
0x5b: {  	_ =	shalt  }
0x5c: {  	_ =	shalt  }
0x5d: {  	_ =	shalt  }
0x5e: {  	_ =	shalt  }
0x5f: {  	_ =	shalt  }
0x60: {  	_ =	shalt  }
0x61: {  	_ =	shalt  }
0x62: {  	_ =	shalt  }
0x63: {  	_ =	shalt  }
0x64: {  	_ =	shalt  }
0x65: {  	_ =	shalt  }
0x66: {  	_ =	shalt  }
0x67: {  	_ =	shalt  }
0x68: {  	_ =	shalt  }
0x69: {  	_ =	shalt  }
0x6a: {  	_ =	shalt  }
0x6b: {  	_ =	shalt  }
0x6c: {  	_ =	shalt  }
0x6d: {  	_ =	shalt  }
0x6e: {  	_ =	shalt  }
0x6f: {  	_ =	shalt  }
0x70: {  	_ =	shalt  }
0x71: {  	_ =	shalt  }
0x72: {  	_ =	shalt  }
0x73: {  	_ =	shalt  }
0x74: {  	_ =	shalt  }
0x75: {  	_ =	shalt  }
0x76: {  	_ =	shalt  }
0x77: {  	_ =	shalt  }
0x78: {  	_ =	shalt  }
0x79: {  	_ =	shalt  }
0x7a: {  	_ =	shalt  }
0x7b: {  	_ =	shalt  }
0x7c: {  	_ =	shalt  }
0x7d: {  	_ =	shalt  }
0x7e: {  	_ =	shalt  }
0x7f: {  	_ =	shalt  }
0x80: {  	_ =	shalt  }
0x81: {  	_ =	shalt  }
0x82: {  	_ =	shalt  }
0x83: {  	_ =	shalt  }
0x84: {  	_ =	shalt  }
0x85: {  	_ =	shalt  }
0x86: {  	_ =	shalt  }
0x87: {  	_ =	shalt  }
.Lfunc_end0:
.L_simem_size_0:
called_computation.1_lowered:
.L_overlay_start_0:
0x88: {  	s2 =	sld [smem:$0x3FD9]  }
0x89: {  	s3 =	sld [smem:$0x3FFE];
	_ =	sdelay $0x1  }
0x8a: {  	s1 =	srdreg.scid  }
0x8b: {  	s0 =	sand.u32 $0x1, s1  }
0x8c: {  	s16 =	sshll.u32 s0, $0xA;
	s2 =	sadd.s32 s3, s2  }
0x8d: {  	s2 =	sadd.s32 s2, s16  }
0x8e: {  	[smem:$0x3FB0] =	sst s2  }
0x8f: {  	_ = 	snop  }
0x90: {  	(tm) =	ssettm $0x1  }
0x91: {  	s17 =	sld [smem:$0x3FFB];
	_ =	sdelay $0x3  }
0x92: {  	_ =	strace s17  }
0x93: {  	s2 =	sld [smem:$0x3FFC];
	_ =	sdelay $0x3  }
0x94: {  	_ =	strace s2  }
0x95: {  	s2 =	sld [smem:$0x3FFD];
	_ =	sdelay $0x3  }
0x96: {  	_ =	strace s2  }
0x97: {  	_ =	strace $0x8FFFFFFF  }
0x98: {  	s18 =	sld [smem:$0x3FDB];
	_ =	sdelay $0x1  }
0x99: {  	s19 =	simm.s32 $_scs_section_size  }
0x9a: {  	s4 =	simm.s32 $_size__tile_overlayer_lowered;
	s5 =	simm.s32 $_tile_overlayer_lowered  }
0x9b: {  	s22 =	simm.s32 $0x1BFF;
	s21 =	sshll.u32 s5, $0x1;
	s2 =	sadd.s32 s19, s18  }
0x9c: {  	s6 =	simm.s32 $0x0;
	s20 =	sshll.u32 s4, $0x1;
	s4 =	sadd.s32 s21, s2  }
0x9d: {  	[timem:s6], [sflag:s22] =	dma.local [hbm:s4], s20  }
0x9e: {  	_ =	swait.ge [sflag:s22], s20  }
0x9f: {  	s3 =	ssub.s32 $0x0, s20;
	[sflag:s22] =	ssyncset.done $0x0  }
0xa0: {  	[sflag:s22] =	ssyncadd.s32 s3;
	_ =	sdelay $0x1  }
0xa1: {  	s23 =	simm.s32 $0x1B8B  }
0xa2: {  	_ =	swait.ge [sflag:s23], $0x1  }
0xa3: {  	[sflag:s23] =	ssyncset.done $0x0  }
0xa4: {  	s25 =	simm.s32 $0x1B8E;
	s24 =	sld [smem:$0x3FFE];
	[sflag:s23] =	ssyncadd.s32 $0xFFFFFFFF  }
0xa5: {  	s26 =	simm.s32 $execute0_lowered;
	[smem:$0x3FD2] =	sst s25  }
0xa6: {  	s4 =	sshll.u32 s26, $0x1;
	_ =	strace $0x80000049;
	[dreg:$0x1] =	wrdreg $0xFFFFFFFF  }
0xa7: {  	s28 =	simm.s32 $_size_execute0_lowered;
	s2 =	sadd.s32 s2, s4;
	[dreg:$0x0] =	wrdreg $0x0  }
0xa8: {  	s4 =	sshll.u32 s28, $0x1;
	[dreg:$0x2] =	wrdreg s2  }
0xa9: {  	[dreg:$0x3] =	wrdreg s4  }
0xaa: {  	[dreg:$0x4] =	wrdreg $0xC0  }
0xab: {  	_ =	task [dreg:s6], $0x5FFFF  }
0xac: {  	[dreg:$0x1] =	wrdreg $0xFFFFFFFF  }
0xad: {  	[dreg:$0x0] =	wrdreg $0x60  }
0xae: {  	[dreg:$0x2] =	wrdreg s24  }
0xaf: {  	[dreg:$0x3] =	wrdreg $0x9  }
0xb0: {  	_ =	task.clear_ibuf [dreg:s6], $0x4FFFF;
	_ =	strace $0x90000049  }
0xb1: {  	s29 =	simm.s32 $0x9;
	_ =	strace $0x8000004B  }
0xb2: {  	_ =	swait.ge [sflag:s29], $0x1  }
0xb3: {  	[sflag:s29] =	ssyncadd.s32 $0xFFFFFFFF  }
0xb4: {  	_ =	strace $0x9000004B  }
0xb5: {  	_ =	sfence  }
0xb6: {  	s30 =	sld [smem:$0x0];
	_ =	sdelay $0x2  }
0xb7: {  	s31 =	sshll.u32 s1, $0xD;
	s1 =	sshrl.u32 s1, $0x2  }
0xb8: {  	s3 =	sand.u32 $0x4000, s31;
	s1 =	sadd.s32 s1, s30  }
0xb9: {  	s0 =	sor.u32 s3, s0;
	s1 =	sshll.u32 s1, $0x11  }
0xba: {  	s0 =	sor.u32 s1, s0  }
0xbb: {  	s0 =	sadd.s32 $0x8F2B, s0  }
0xbc: {  	[sflag:s0] =	ssyncadd.remote.s32 $0x1  }
0xbd: {  	_ =	sfence.sel $0xFFFF  }
0xbe: {  	[dreg:$0x0] =	wrdreg $0xFFFFFFFF;
	(pc) =	sbr.abs _section_cstart, $3  }
0xbf: {  	[dreg:$0x1] =	wrdreg $0xFFFFFFFF  }
0xc0: {  	_ =	task.clear_ibuf [dreg:s6], $0x2FFFF;
	_ =	strace $0x9FFFFFFF  }
0xc1: {  	(tm) =	ssettm $0x7FFFFFFF  }
tec
execute0_lowered:
.L_overlay_start_1:
0x0: {  	(tag) =	ssettag $0x1  }
0x1: {  	s1 =	srdreg.scid  }
0x2: {  	s0 =	stileid.u32;
	s11 =	rddreg [dreg:$0x0]  }
0x3: {  	s2 =	simm.s32 $0x0;
	s18 =	simm.s32 $0x3;
	s19 =	simm.s32 $0xA570  }
0x4: {  	s20 =	simm.s32 $0x80;
	s21 =	simm.s32 $0x6480;
	s22 =	simm.s32 $0x1  }
0x5: {  	s23 =	simm.s32 $0x0;
	s7 =	sand.u32 $0x1, s1;
	s29 =	sshll.u32 s0, $0x1  }
0x6: {  	[smem:$0x7FF] =	sst s2;
	s6 =	sadd.s32 $0x957C00, s11;
	s17 =	sor.u32 s7, s29  }
0x7: {  	s4 =	sadd.s32 $0x4400, s11;
	_ =	strace $0x8000004A;
	s3 =	smul.u32 $0x6400, s17  }
0x8: {  	s13 =	ssub.s32 $0x2, s7;
	s7 =	sadd.s32 $0xF72400, s11;
	s8 =	smul.u32 $0x1E, s17  }
0x9: {  	s9 =	sshll.u32 s17, $0x4;
	s30 =	sshll.u32 s17, $0x1;
	s12 =	sshll.u32 s17, $0xA  }
0xa: {  	s31 =	sshrl.u32 s13, $0x1;
	p0 =	seq.s32 s17, $0x1F;
	s17 =	simm.s32 $0xA480  }
0xb: {  	s14 =	sadd.s32 s9, s11;
	s9 =	sadd.s32 s30, s11;
	s15 =	sadd.s32 s12, s11  }
.Ltmp0:
0xc: {  	s16 =	ssub.s32 s13, s31;
	s5 =	sshrl.u32 s3, $0x3;
	(pc) =	sbr.rel .LBB2_1-.Ltmp0, $4  }
0xd: {  	s8 =	sadd.s32 s8, s11;
	s9 =	sadd.s32 $0x4200, s9;
	s12 =	sadd.s32 $0x311800, s15  }
0xe: {  	s13 =	sadd.s32 $0x4000, s14;
	s14 =	sadd.s32 $0x3E00, s14;
	s15 =	sadd.s32 $0x319800, s15  }
0xf: {  	s10 =	sadd.s32 s5, s11;
	s5 =	sadd.s32 $0xC65000, s11;
	s8 =	sadd.s32 $0x2E00, s8  }
0x10: {  	s16 =	smax.u32 s16, $0x1;
	s11 =	sadd.s32 $0x33C780, s11;
	s10 =	sadd.s32 $0x324400, s10  }
.LBB2_4:
0x11: {  	[sflag:s28] =	ssyncset.done $0x0  }
0x12: {  	[sflag:s28] =	ssyncadd.s32 $0xFFFFE000  }
.LBB2_5:
0x13: {  	[tilespmem:s2], [sflag:$0x3] =	stream.linear.gather [hbm4b:s13+s2], $0x80, $0x38;
	[tilespmem:$0xA580] =	vst v63  }
0x14: {  	_ =	swait.ge [sflag:s18], $0x80  }
0x15: {  	[sflag:s18] =	ssyncset.done $0x0  }
0x16: {  	[sflag:s18] =	ssyncadd.s32 $0xFFFFFF80  }
0x17: {  	[tilespmem:s21], [sflag:$0x1] =	stream.indirect.gather [hbm4b:s5+s20], $0x40, s2, s20, $0xb8;
	[tilespmem:$0xA580] =	vst v63  }
0x18: {  	_ =	swait.ge [sflag:s22], $0x2000  }
0x19: {  	[sflag:s22] =	ssyncset.done $0x0  }
0x1a: {  	[sflag:s22] =	ssyncadd.s32 $0xFFFFE000  }
0x1b: {  	[hbm4b:s12+s2] =	stream.linear.scatter [tilespmem:s21], [sflag:$0x3], $0x2000, $0x38;
	[tilespmem:$0xA580] =	vst v63  }
0x1c: {  	_ =	swait.ge [sflag:s18], $0x2000  }
0x1d: {  	[sflag:s18] =	ssyncset.done $0x0  }
0x1e: {  	[sflag:s18] =	ssyncadd.s32 $0xFFFFE000  }
0x1f: {  	[tilespmem:s2], [sflag:$0x3] =	stream.linear.gather [hbm4b:s14+s2], $0x80, $0x38;
	[tilespmem:$0xA580] =	vst v63  }
0x20: {  	_ =	swait.ge [sflag:s18], $0x80  }
0x21: {  	[sflag:s18] =	ssyncset.done $0x0  }
0x22: {  	[sflag:s18] =	ssyncadd.s32 $0xFFFFFF80  }
0x23: {  	[tilespmem:s21], [sflag:$0x1] =	stream.indirect.gather [hbm4b:s6+s20], $0x40, s2, s20, $0xb8;
	[tilespmem:$0xA580] =	vst v63  }
0x24: {  	s23 =	sadd.s32 $0x1, s23;
	_ =	swait.ge [sflag:s22], $0x2000  }
0x25: {  	p1 =	sne.s32 s23, s16;
	[sflag:s22] =	ssyncset.done $0x0  }
.Ltmp1:
0x26: {  	[sflag:s22] =	ssyncadd.s32 $0xFFFFE000;
	(pc) =	sbr.rel @!p1 .LBB2_6-.Ltmp1, $4  }
0x27: {  	[hbm4b:s15+s2] =	stream.linear.scatter [tilespmem:s21], [sflag:$0x3], $0x2000, $0x38;
	[tilespmem:$0xA580] =	vst v63  }
0x28: {  	_ =	swait.ge [sflag:s18], $0x2000  }
0x29: {  	[sflag:s18] =	ssyncset.done $0x0  }
0x2a: {  	[sflag:s18] =	ssyncadd.s32 $0xFFFFE000  }
.LBB2_1:
0x2b: {  	[tilespmem:s17], [sflag:$0x3] =	stream.linear.gather [hbm4b:s8+s2], $0xF0, $0x38;
	[tilespmem:$0xA580] =	vst v63  }
0x2c: {  	_ =	swait.ge [sflag:s18], $0xF0  }
0x2d: {  	[sflag:s18] =	ssyncset.done $0x0  }
0x2e: {  	[sflag:s18] =	ssyncadd.s32 $0xFFFFFF10  }
0x2f: {  	[tilespmem:s19], [sflag:$0x3] =	stream.linear.gather [hbm4b:s9+s2], $0x10, $0x38;
	[tilespmem:$0xA580] =	vst v63  }
0x30: {  	_ =	swait.ge [sflag:s18], $0x10  }
0x31: {  	[sflag:s18] =	ssyncset.done $0x0  }
0x32: {  	[sflag:s18] =	ssyncadd.s32 $0xFFFFFFF0  }
0x33: {  	v0 =	vld [tilespmem:$0xA570];
	_ =	sdelay $0x4  }
0x34: {  	(v2sf) =	vpush v0, $0x0;
	_ =	sdelay $0xc  }
0x35: {  	s24 =	simm.s32 @p0 $0x0  }
0x36: {  	[tilespmem:s24], [sflag:$0x3] =	stream.linear.gather @p0 [hbm4b:s11+s24], $0x6400, $0x38;
	[tilespmem:$0xA580] =	vst v63  }
0x37: {  	s25 =	simm.s32 @p0 $0x3;
	s24 =	spop (v2sf)  }
0x38: {  	_ =	swait.ge @p0 [sflag:s25], $0x6400  }
0x39: {  	[sflag:s25] =	ssyncset.done @p0 $0x0  }
0x3a: {  	p1 =	slt.s32 s24, $0x1;
	[sflag:s25] =	ssyncadd.s32 @p0 $0xFFFF9C00;
	s25 =	simm.s32 @!p0 $0x0  }
0x3b: {  	[tilespmem:s25], [sflag:$0x3] =	stream.linear.gather @!p0 [hbm4b:s10+s25], $0x6480, $0x38;
	[tilespmem:$0xA580] =	vst v63  }
.Ltmp2:
0x3c: {  	_ = 	snop;
	(pc) =	sbr.rel @p1 .LBB2_5-.Ltmp2, $4  }
0x3d: {  	s25 =	simm.s32 @!p0 $0x3  }
0x3e: {  	_ =	swait.ge @!p0 [sflag:s25], $0x6480  }
0x3f: {  	[sflag:s25] =	ssyncset.done @!p0 $0x0  }
0x40: {  	[sflag:s25] =	ssyncadd.s32 @!p0 $0xFFFF9B80  }
0x41: {  	v0 =	vld [tilespmem:$0xA480];
	_ =	sdelay $0x4  }
0x42: {  	(v2sf) =	vpush v0, $0x0;
	_ =	sdelay $0xe  }
0x43: {  	s25 =	spop (v2sf)  }
0x44: {  	s25 =	sand.u32 $0xFFFFFFF8, s25  }
0x45: {  	[tilespmem:s21], [sflag:$0x1] =	stream.indirect.gather [hbm4b:s4+s20], $0x40, s25, s20, $0xb8;
	[tilespmem:$0xA580] =	vst v63  }
0x46: {  	p1 =	sle.s32 s24, $0x1;
	s25 =	simm.s32 $0xA481  }
0x47: {  	v0 =	vld @!p1 [tilespmem:s25+$0x0];
	_ =	sdelay $0x4  }
0x48: {  	(v2sf) =	vpush @!p1 v0, $0x0;
	_ =	sdelay $0xb  }
0x49: {  	s26 =	simm.s32 $0x1  }
0x4a: {  	s28 =	sand.u32 @!p1 $0x1, s26  }
0x4b: {  	p2 =	seq.s32 @!p1 s28, $0x1  }
0x4c: {  	p3 =	por !p2, p1;
	p2 =	por p2, p1;
	s28 =	spop @!p1 (v2sf)  }
0x4d: {  	s29 =	simm.s32 @!p3 $0x80;
	s30 =	simm.s32 @!p3 $0x8480;
	s28 =	sand.u32 @!p1 $0xFFFFFFF8, s28  }
0x4e: {  	[tilespmem:s30], [sflag:$0x2] =	stream.indirect.gather @!p3 [hbm4b:s4+s29], $0x40, s28, s29, $0xb8;
	[tilespmem:$0xA580] =	vst v63  }
0x4f: {  	s29 =	simm.s32 @!p2 $0x80;
	s30 =	simm.s32 @!p2 $0x6480  }
0x50: {  	[tilespmem:s30], [sflag:$0x1] =	stream.indirect.gather @!p2 [hbm4b:s4+s29], $0x40, s28, s29, $0xb8;
	[tilespmem:$0xA580] =	vst v63  }
0x51: {  	s28 =	simm.s32 $0x0;
	v63 =	vld [tilespmem:s25+$0xFFFFFFFF]  }
0x52: {  	s28 =	sand.u32 $0x1, s28  }
0x53: {  	p1 =	seq.s32 s28, $0x1  }
0x54: {  	s28 =	simm.s32 @p1 $0x2  }
0x55: {  	_ =	swait.ge @p1 [sflag:s28], $0x2000  }
0x56: {  	(v2sf) =	vpush v63, $0x0;
	_ =	sdelay $0xe  }
0x57: {  	s31 =	spop (v2sf)  }
0x58: {  	[sflag:s28] =	ssyncset.done @p1 $0x0;
	s29 =	sadd.s32 s3, s31  }
0x59: {  	[sflag:s28] =	ssyncadd.s32 @p1 $0xFFFFE000;
	s28 =	sshll.u32 @p1 s29, $0x3  }
0x5a: {  	s1 =	simm.s32 @p1 $0x0;
	s28 =	sand.u32 @p1 $0x1FFFFFC0, s28  }
0x5b: {  	s31 =	simm.s32 @p1 $0x8480;
	s29 =	sshll.u32 @!p1 s29, $0x3;
	s28 =	sadd.s32 @p1 s7, s28  }
0x5c: {  	[hbm4b:s28+s1] =	stream.linear.scatter @p1 [tilespmem:s31], [sflag:$0x3], $0x2000, $0x38;
	[tilespmem:$0xA580] =	vst v63  }
0x5d: {  	p2 =	sne.s32 s24, $0x1;
	s30 =	simm.s32 @!p1 $0x1;
	s1 =	sand.u32 @!p1 $0x1FFFFFC0, s29  }
.Ltmp3:
0x5e: {  	s28 =	simm.s32 @!p1 $0x4;
	_ =	swait.ge @!p1 [sflag:s30], $0x2000;
	(pc) =	sbr.rel @!p2 .LBB2_4-.Ltmp3, $4  }
0x5f: {  	s29 =	simm.s32 @!p1 $0x0;
	s1 =	sadd.s32 @!p1 s7, s1;
	[sflag:s30] =	ssyncset.done @!p1 $0x0  }
0x60: {  	s28 =	simm.s32 @p1 $0x3;
	[sflag:s30] =	ssyncadd.s32 @!p1 $0xFFFFE000;
	s30 =	simm.s32 @!p1 $0x6480  }
0x61: {  	[hbm4b:s1+s29] =	stream.linear.scatter @!p1 [tilespmem:s30], [sflag:$0x4], $0x2000, $0x38;
	[tilespmem:$0xA580] =	vst v63  }
0x62: {  	_ =	swait.ge [sflag:s28], $0x2000  }
.LBB2_3:
0x63: {  	[sflag:s28] =	ssyncset.done $0x0;
	s1 =	smov.u32 s26;
	s26 =	sadd.s32 $0x1, s26  }
0x64: {  	s25 =	sadd.s32 $0x1, s25;
	p2 =	sge.s32 s26, s24;
	[sflag:s28] =	ssyncadd.s32 $0xFFFFE000  }
0x65: {  	p1 =	sne.s32 s24, s26;
	v0 =	vld @!p2 [tilespmem:s25+$0x0];
	s28 =	sand.u32 @!p2 $0x1, s26  }
0x66: {  	p3 =	seq.s32 @!p2 s28, $0x1  }
0x67: {  	p4 =	por !p3, p2;
	p3 =	por p3, p2;
	_ =	sdelay $0x2  }
0x68: {  	(v2sf) =	vpush @!p2 v0, $0x0;
	_ =	sdelay $0xe  }
0x69: {  	s28 =	spop @!p2 (v2sf)  }
0x6a: {  	s29 =	simm.s32 @!p4 $0x80;
	s30 =	simm.s32 @!p4 $0x8480;
	s28 =	sand.u32 @!p2 $0xFFFFFFF8, s28  }
0x6b: {  	[tilespmem:s30], [sflag:$0x2] =	stream.indirect.gather @!p4 [hbm4b:s4+s29], $0x40, s28, s29, $0xb8;
	[tilespmem:$0xA580] =	vst v63  }
0x6c: {  	s1 =	sand.u32 $0x1, s1;
	s29 =	simm.s32 @!p3 $0x80;
	s30 =	simm.s32 @!p3 $0x6480  }
0x6d: {  	[tilespmem:s30], [sflag:$0x1] =	stream.indirect.gather @!p3 [hbm4b:s4+s29], $0x40, s28, s29, $0xb8;
	[tilespmem:$0xA580] =	vst v63  }
0x6e: {  	p2 =	seq.s32 s1, $0x1;
	v0 =	vld [tilespmem:s25+$0xFFFFFFFF]  }
0x6f: {  	s1 =	simm.s32 @p2 $0x2;
	s28 =	simm.s32 @!p2 $0x4  }
0x70: {  	_ =	swait.ge @p2 [sflag:s1], $0x2000  }
0x71: {  	[sflag:s1] =	ssyncset.done @p2 $0x0  }
0x72: {  	[sflag:s1] =	ssyncadd.s32 @p2 $0xFFFFE000  }
0x73: {  	(v2sf) =	vpush v0, $0x0;
	_ =	sdelay $0xe  }
0x74: {  	s1 =	spop (v2sf)  }
0x75: {  	s1 =	sadd.s32 s3, s1  }
0x76: {  	s30 =	simm.s32 @!p2 $0x1;
	s29 =	sshll.u32 @p2 s1, $0x3;
	s1 =	sshll.u32 @!p2 s1, $0x3  }
0x77: {  	s31 =	simm.s32 @p2 $0x8480;
	s29 =	sand.u32 @p2 $0x1FFFFFC0, s29;
	s1 =	sand.u32 @!p2 $0x1FFFFFC0, s1  }
0x78: {  	s0 =	simm.s32 @p2 $0x0;
	s29 =	sadd.s32 @p2 s7, s29;
	s1 =	sadd.s32 @!p2 s7, s1  }
0x79: {  	[hbm4b:s29+s0] =	stream.linear.scatter @p2 [tilespmem:s31], [sflag:$0x3], $0x2000, $0x38;
	[tilespmem:$0xA580] =	vst v63  }
.Ltmp4:
0x7a: {  	_ =	swait.ge @!p2 [sflag:s30], $0x2000;
	(pc) =	sbr.rel @p1 .LBB2_3-.Ltmp4, $4  }
0x7b: {  	s28 =	simm.s32 @p2 $0x3;
	[sflag:s30] =	ssyncset.done @!p2 $0x0  }
0x7c: {  	s0 =	simm.s32 @!p2 $0x0;
	s29 =	simm.s32 @!p2 $0x6480;
	[sflag:s30] =	ssyncadd.s32 @!p2 $0xFFFFE000  }
0x7d: {  	[hbm4b:s1+s0] =	stream.linear.scatter @!p2 [tilespmem:s29], [sflag:$0x4], $0x2000, $0x38;
	[tilespmem:$0xA580] =	vst v63  }
0x7e: {  	_ =	swait.ge [sflag:s28], $0x2000  }
.Ltmp5:
0x7f: {  	_ = 	snop;
	(pc) =	sbr.rel .LBB2_4-.Ltmp5, $1  }
0x80: {  	_ =	sdelay $0x3  }
.LBB2_6:
0x81: {  	_ =	sfence.sel $0x180000  }
0x82: {  	[bflag:$0x0] =	sbarrier.arrive $0xFFFF  }
0x83: {  	_ =	strace $0x9000004A  }
0x84: {  	s0 =	stileid.u32;
	[bflag:$0x2] =	sbarrier.arrive $0xFFFF  }
0x85: {  	p0 =	sne.s32 s0, $0x0;
	s0 =	rddreg [dreg:$0x1]  }
0x86: {  	s0 =	sadd.s32 @!p0 $0x100000, s0  }
0x87: {  	[sflag:s0] =	ssyncadd.tile.s32 @!p0 $0x1;
	_ =	shalt  }
.Lfunc_end2:
_tile_overlayer_lowered:
.L_overlay_start_2:
0x88: {  	(tag) =	ssettag $0x2  }
0x89: {  	s0 =	rddreg [dreg:$0x0];
	s2 =	stileid.u32  }
0x8a: {  	s1 =	rddreg [dreg:$0x1];
	p0 =	sne.s32 s2, $0x0  }
0x8b: {  	s3 =	rddreg [dreg:$0x2];
	[bflag:$0x3] =	sbarrier.arrive $0xFFFF;
	s2 =	simm.s32 @!p0 $0x1C03  }
0x8c: {  	[timem:s3], [sflag:s2] =	dma.local @!p0 [hbm:s0], s1  }
0x8d: {  	s0 =	simm.s32 @!p0 $0x3  }
0x8e: {  	_ =	swait.ge @!p0 [sflag:s0], s1  }
0x8f: {  	s1 =	ssub.s32 @!p0 $0x0, s1;
	[sflag:s0] =	ssyncset.done @!p0 $0x0  }
0x90: {  	[sflag:s0] =	ssyncadd.s32 @!p0 s1  }
0x91: {  	[bflag:$0x3] =	sbarrier.arrive $0xFFFF  }
0x92: {  	_ =	shalt  }

</sc_bundles>
